<compile_context>
chip_gen: v7x
topology: tpu7x:2x2x1
jax: 0.10.2.dev20260603
libtpu: 0.0.44.dev20260713+nightly
codegen_flags: <defaults>
</compile_context>

<pallas_src>
import functools

import jax
import jax.numpy as jnp
from jax import lax
from jax.experimental import pallas as pl
from jax.experimental.pallas import tpu as pltpu
from jax.experimental.pallas import tpu_sc as plsc

_N = 10000
_E = 320000
_LANES = 128
_NW = 32
_IDXC = 16
_RPW = 80
_NROWS = _NW * _RPW
_NH = 10112
_RPS = _NH // 16
_NP = 10240
_NPR = _NP // _LANES

_mesh = plsc.VectorSubcoreMesh(core_axis_name="c", subcore_axis_name="s")


@functools.partial(
    pl.kernel,
    out_type=jax.ShapeDtypeStruct((_NW, 2, _NPR, _LANES), jnp.float32),
    mesh=_mesh,
    compiler_params=pltpu.CompilerParams(needs_layout_passes=False),
    scratch_types=[
        pltpu.VMEM((_RPW, _LANES), jnp.int32),
        pltpu.VMEM((_RPW, _LANES), jnp.int32),
        pltpu.VMEM((_NPR, _LANES), jnp.float32),
        pltpu.VMEM((_NPR, _LANES), jnp.float32),
    ],
)
def _hist_kernel(sidx_hbm, didx_hbm, zeros_hbm, out_hbm,
                 sidx_v, didx_v, hsrc_v, hdst_v):
    c = lax.axis_index("c")
    s = lax.axis_index("s")
    w = c * 16 + s
    base_row = w * _RPW
    pltpu.sync_copy(sidx_hbm.at[pl.ds(base_row, _RPW)], sidx_v)
    pltpu.sync_copy(didx_hbm.at[pl.ds(base_row, _RPW)], didx_v)
    pltpu.sync_copy(zeros_hbm, hsrc_v)
    pltpu.sync_copy(zeros_hbm, hdst_v)
    ones16 = jnp.full((16,), 1.0, jnp.float32)

    def body(j, carry):
        for o in range(8):
            iv = sidx_v[j, pl.ds(o * 16, 16)]
            plsc.addupdate_scatter(
                hsrc_v, [iv >> 7, iv & 127], ones16)
            jv = didx_v[j, pl.ds(o * 16, 16)]
            plsc.addupdate_scatter(
                hdst_v, [jv >> 7, jv & 127], ones16)
        return carry

    lax.fori_loop(0, _RPW, body, None)
    pltpu.sync_copy(hsrc_v, out_hbm.at[w, 0])
    pltpu.sync_copy(hdst_v, out_hbm.at[w, 1])


@functools.partial(
    pl.kernel,
    out_type=jax.ShapeDtypeStruct((2, _NH, _LANES), jnp.float32),
    mesh=_mesh,
    scratch_types=[
        pltpu.VMEM((2, _IDXC, _LANES), jnp.int32),
        pltpu.VMEM((2, _IDXC, _LANES), jnp.int32),
        pltpu.VMEM((2, _LANES, _LANES), jnp.float32),
        pltpu.VMEM_SHARED((_NH, _LANES), jnp.float32),
        pltpu.SemaphoreType.DMA,
        pltpu.SemaphoreType.DMA,
    ],
)
def _spmm_kernel(h_hbm, src_hbm, dst_hbm, zeros_hbm, out_hbm,
                 sidx_v, didx_v, msg_v, agg, gsem, ssem):
    c = lax.axis_index("c")
    s = lax.axis_index("s")
    base_row = (c * 16 + s) * _RPW
    pltpu.sync_copy(zeros_hbm, agg.at[pl.ds(s * _RPS, _RPS)])
    plsc.subcore_barrier()

    def drain_gather():
        pltpu.make_async_copy(h_hbm.at[pl.ds(0, _LANES)], msg_v.at[0],
                              gsem).wait()

    def drain_scatter():
        pltpu.make_async_copy(msg_v.at[0], agg.at[pl.ds(0, _LANES)],
                              ssem).wait()

    def body(t, _):
        ck = lax.div(t, _IDXC)
        q = lax.rem(ck, 2)
        r = lax.rem(t, _IDXC)
        b = lax.rem(t, 2)

        @pl.when(r == 0)
        def _load_idx():
            pltpu.sync_copy(src_hbm.at[pl.ds(base_row + ck * _IDXC, _IDXC)],
                            sidx_v.at[q])
            pltpu.sync_copy(dst_hbm.at[pl.ds(base_row + ck * _IDXC, _IDXC)],
                            didx_v.at[q])

        @pl.when(t >= 2)
        def _drain():
            drain_scatter()

        pltpu.async_copy(h_hbm.at[sidx_v.at[q, r]], msg_v.at[b], gsem)
        drain_gather()
        pltpu.async_copy(msg_v.at[b], agg.at[didx_v.at[q, r]], ssem, add=True)
        return _

    lax.fori_loop(0, _RPW, body, None)
    for _j in range(2):
        drain_scatter()
    plsc.subcore_barrier()
    pltpu.sync_copy(agg.at[pl.ds(s * _RPS, _RPS)],
                    out_hbm.at[c, pl.ds(s * _RPS, _RPS)])


_R = 2048
_GRID = _NP // _R
_PBR = _R // _LANES


def _prep_body(degp_ref, o_ref):
    d = jnp.sum(degp_ref[...], axis=0)
    o_ref[...] = jnp.where(d > 0.0, lax.rsqrt(d), 0.0)


def _expand(n_ref, u_ref, m_ref):
    z = jnp.dot(u_ref[...], n_ref[...], preferred_element_type=jnp.float32,
                precision=jax.lax.Precision.HIGHEST)
    return jnp.sum(z * m_ref[...], axis=1, keepdims=True)


def _scale_body(x_ref, ns_ref, u_ref, m_ref, o_ref):
    o_ref[...] = x_ref[...] * _expand(ns_ref, u_ref, m_ref)


def _dense_body(aggp_ref, ns_ref, nd_ref, u_ref, m_ref, w1_ref, b1_ref,
                w2_ref, o_ref):
    agg = (aggp_ref[0] + aggp_ref[1]) * _expand(nd_ref, u_ref, m_ref)
    h1 = jnp.dot(agg, w1_ref[...], preferred_element_type=jnp.float32)
    h1 = jnp.maximum(h1 + b1_ref[...], 0.0)
    h1 = h1 * _expand(ns_ref, u_ref, m_ref)
    o_ref[...] = jnp.dot(h1, w2_ref[...], preferred_element_type=jnp.float32)


def _final_body(aggp_ref, nd_ref, u_ref, m_ref, b2_ref, o_ref):
    agg = (aggp_ref[0] + aggp_ref[1]) * _expand(nd_ref, u_ref, m_ref)
    o_ref[...] = jnp.maximum(agg + b2_ref[...], 0.0)


_aggp_spec = pl.BlockSpec((2, _R, _LANES), lambda i: (0, i, 0))
_row_spec = pl.BlockSpec((_R, _LANES), lambda i: (i, 0))
_norm_spec = pl.BlockSpec((_PBR, _LANES), lambda i: (i, 0))
_u_spec = pl.BlockSpec((_R, _PBR), lambda i: (0, 0))
_m_spec = pl.BlockSpec((_R, _LANES), lambda i: (0, 0))

_prep_call = pl.pallas_call(
    _prep_body,
    grid=(1,),
    in_specs=[pl.BlockSpec((_NW, 2 * _NPR, _LANES), lambda i: (0, 0, 0))],
    out_specs=pl.BlockSpec((2 * _NPR, _LANES), lambda i: (0, 0)),
    out_shape=jax.ShapeDtypeStruct((2 * _NPR, _LANES), jnp.float32),
)

_scale_call = pl.pallas_call(
    _scale_body,
    grid=(_GRID,),
    in_specs=[_row_spec, _norm_spec, _u_spec, _m_spec],
    out_specs=_row_spec,
    out_shape=jax.ShapeDtypeStruct((_N, _LANES), jnp.float32),
)

_dense_call = pl.pallas_call(
    _dense_body,
    grid=(_GRID,),
    in_specs=[
        _aggp_spec,
        _norm_spec,
        _norm_spec,
        _u_spec,
        _m_spec,
        pl.BlockSpec((128, 256), lambda i: (0, 0)),
        pl.BlockSpec((1, 256), lambda i: (0, 0)),
        pl.BlockSpec((256, 128), lambda i: (0, 0)),
    ],
    out_specs=_row_spec,
    out_shape=jax.ShapeDtypeStruct((_N, _LANES), jnp.float32),
)

_final_call = pl.pallas_call(
    _final_body,
    grid=(_GRID,),
    in_specs=[
        _aggp_spec,
        _norm_spec,
        _u_spec,
        _m_spec,
        pl.BlockSpec((1, 128), lambda i: (0, 0)),
    ],
    out_specs=_row_spec,
    out_shape=jax.ShapeDtypeStruct((_N, _LANES), jnp.float32),
)


def kernel(features, edge_index, W1, b1, W2, b2):
    pad = _NROWS * _LANES - _E
    lane = (jnp.arange(pad, dtype=jnp.int32) % 16)
    src = edge_index[0]
    dst = edge_index[1]
    src_deg = jnp.concatenate([src, _N + lane]).reshape(_NROWS, _LANES)
    dst_deg = jnp.concatenate([dst, _N + lane]).reshape(_NROWS, _LANES)
    src_g = jnp.concatenate([src, lane]).reshape(_NROWS, _LANES)

    zeros128 = jnp.zeros((_RPS, _LANES), jnp.float32)
    zeros_np = jnp.zeros((_NPR, _LANES), jnp.float32)

    rows = jnp.arange(_R, dtype=jnp.int32)
    u_mat = (rows[:, None] // _LANES ==
             jnp.arange(_PBR, dtype=jnp.int32)[None, :]).astype(jnp.float32)
    m_mat = (rows[:, None] % _LANES ==
             jnp.arange(_LANES, dtype=jnp.int32)[None, :]).astype(jnp.float32)

    degp = _hist_kernel(src_deg, dst_deg, zeros_np)
    norms = _prep_call(degp.reshape(_NW, 2 * _NPR, _LANES))
    nsrc = norms[:_NPR]
    ndst = norms[_NPR:]

    h0 = _scale_call(features, nsrc, u_mat, m_mat)
    p = _spmm_kernel(h0, src_g, dst_deg, zeros128)
    h3 = _dense_call(p, nsrc, ndst, u_mat, m_mat, W1, b1.reshape(1, -1), W2)
    q = _spmm_kernel(h3, src_g, dst_deg, zeros128)
    return _final_call(q, ndst, u_mat, m_mat, b2.reshape(1, -1))

# --- scband reference (transcript-rebuilt; emitter-appended) ---
"""Pipeline reference for scband-gcn-86139864089359 (READ-ONLY COPY).

The authoritative reference and input builder live on the scoring server;
editing this copy changes nothing except your own understanding.
"""

import jax, jax.numpy as jnp
import numpy as np

N = 10000
E = 320000
IN = 128
HID = 256
OUT = 128


def setup_inputs(seed: int = 0):
    key = jax.random.key(seed)
    k1, k2, k3, k4 = jax.random.split(key, 4)
    features = jax.random.normal(k1, (N, IN), dtype=jnp.float32)
    edge_index = jax.random.randint(k2, (2, E), 0, N, dtype=jnp.int32)
    W1 = jax.random.normal(k3, (IN, HID), dtype=jnp.float32) * (1.0 / np.sqrt(IN))
    b1 = jnp.zeros((HID,), dtype=jnp.float32)
    W2 = jax.random.normal(k4, (HID, OUT), dtype=jnp.float32) * (1.0 / np.sqrt(HID))
    b2 = jnp.zeros((OUT,), dtype=jnp.float32)
    return {"features": features, "edge_index": edge_index, "W1": W1, "b1": b1, "W2": W2, "b2": b2}


def _gcn_layer(x, src, dst, W, b, weight_first):
    # DGL GraphConv with norm='both': h = D_in^{-1/2} A D_out^{-1/2} x W + b
    n = x.shape[0]
    out_deg = jnp.zeros((n,), dtype=x.dtype).at[src].add(1.0)
    in_deg = jnp.zeros((n,), dtype=x.dtype).at[dst].add(1.0)
    norm_src = jnp.where(out_deg > 0, out_deg ** -0.5, 0.0)
    norm_dst = jnp.where(in_deg > 0, in_deg ** -0.5, 0.0)
    h = x * norm_src[:, None]
    if weight_first:
        h = h @ W
    m = jnp.take(h, src, axis=0)
    agg = jnp.zeros((n, h.shape[1]), dtype=h.dtype).at[dst].add(m)
    h = agg * norm_dst[:, None]
    if not weight_first:
        h = h @ W
    return h + b


def reference(features, edge_index, W1, b1, W2, b2):
    src = edge_index[0]
    dst = edge_index[1]
    # Dropout is identity in eval mode.
    h = features
    # Layer 1: in(128) <= out(256) -> aggregate first, then weight (DGL rule)
    h = _gcn_layer(h, src, dst, W1, b1, weight_first=False)
    h = jax.nn.relu(h)  # GraphConv activation=F.relu
    h = jax.nn.relu(h)  # outer F.relu in forward loop (idempotent)
    # Layer 2: in(256) > out(128) -> weight first, then aggregate (DGL rule)
    h = _gcn_layer(h, src, dst, W2, b2, weight_first=True)
    h = jax.nn.relu(h)  # outer F.relu
    return h

if __name__ == "__main__":
    import jax
    _d = setup_inputs()
    print(jax.jit(kernel)(*tuple(_d.values())))

</pallas_src>

<mosaic_0001>
#map = affine_map<(d0, d1) -> (0, 0)>
#map1 = affine_map<(d0, d1) -> (0, 0, 0, 0)>
module attributes {stable_mosaic.version = 14 : i64} {
  func.func @_hist_kernel(%arg0: i32, %arg1: i32, %arg2: memref<2560x128xi32, #tpu.memory_space<hbm>>, %arg3: memref<2560x128xi32, #tpu.memory_space<hbm>>, %arg4: memref<80x128xf32, #tpu.memory_space<hbm>>, %arg5: memref<32x2x80x128xf32, #tpu.memory_space<hbm>>, %arg6: memref<80x128xi32, #tpu.memory_space<vmem>>, %arg7: memref<80x128xi32, #tpu.memory_space<vmem>>, %arg8: memref<80x128xf32, #tpu.memory_space<vmem>>, %arg9: memref<80x128xf32, #tpu.memory_space<vmem>>) attributes {dimension_semantics = [#tpu.dimension_semantics<core_parallel>, #tpu.dimension_semantics<subcore_parallel>], iteration_bounds = array<i64: 2, 16>, scalar_prefetch = 0 : i64, scratch_operands = 4 : i64, tpu.core_type = #tpu.core_type<sc_vector_subcore>, window_params = [{transform_indices = #map}, {transform_indices = #map}, {transform_indices = #map}, {transform_indices = #map1}]} {
    %mul3A = arith.constant 16 : i32
    %mul3A_0 = arith.muli %arg0, %mul3A : i32
    %add3A = arith.addi %mul3A_0, %arg1 : i32
    %mul3A_1 = arith.constant 80 : i32
    %mul3A_2 = arith.muli %add3A, %mul3A_1 : i32
    "tpu.region"() ({
      %run_scoped3A_9 = tpu.sem_alloc : memref<!tpu.dma_semaphore, #tpu.memory_space<semaphore_mem>>
      %dma_start3A = arith.constant 0 : i32
      %dma_start3A_10 = tpu.memref_slice %arg2[%mul3A_2, %dma_start3A] : memref<2560x128xi32, #tpu.memory_space<hbm>> -> memref<80x128xi32, #tpu.memory_space<hbm>>
      %dma_start3A_11 = arith.constant 0 : i32
      %dma_start3A_12 = tpu.memref_slice %arg2[%mul3A_2, %dma_start3A_11] : memref<2560x128xi32, #tpu.memory_space<hbm>> -> memref<80x128xi32, #tpu.memory_space<hbm>>
      tpu.enqueue_dma source(%dma_start3A_12 : memref<80x128xi32, #tpu.memory_space<hbm>>) target(%arg6 : memref<80x128xi32, #tpu.memory_space<vmem>>) target_semaphore(%run_scoped3A_9 : memref<!tpu.dma_semaphore, #tpu.memory_space<semaphore_mem>>)
      %dma_wait3A = arith.constant 0 : i32
      %dma_wait3A_13 = tpu.memref_slice %arg2[%mul3A_2, %dma_wait3A] : memref<2560x128xi32, #tpu.memory_space<hbm>> -> memref<80x128xi32, #tpu.memory_space<hbm>>
      %dma_wait3A_14 = arith.constant 0 : i32
      %dma_wait3A_15 = tpu.memref_slice %arg2[%mul3A_2, %dma_wait3A_14] : memref<2560x128xi32, #tpu.memory_space<hbm>> -> memref<80x128xi32, #tpu.memory_space<hbm>>
      tpu.wait_dma2 semaphore(%run_scoped3A_9 : memref<!tpu.dma_semaphore, #tpu.memory_space<semaphore_mem>>) src(%dma_wait3A_15 : memref<80x128xi32, #tpu.memory_space<hbm>>) dst(%arg6 : memref<80x128xi32, #tpu.memory_space<vmem>>)
      tpu.yield
    }) : () -> ()
    "tpu.region"() ({
      %run_scoped3A_9 = tpu.sem_alloc : memref<!tpu.dma_semaphore, #tpu.memory_space<semaphore_mem>>
      %dma_start3A = arith.constant 0 : i32
      %dma_start3A_10 = tpu.memref_slice %arg3[%mul3A_2, %dma_start3A] : memref<2560x128xi32, #tpu.memory_space<hbm>> -> memref<80x128xi32, #tpu.memory_space<hbm>>
      %dma_start3A_11 = arith.constant 0 : i32
      %dma_start3A_12 = tpu.memref_slice %arg3[%mul3A_2, %dma_start3A_11] : memref<2560x128xi32, #tpu.memory_space<hbm>> -> memref<80x128xi32, #tpu.memory_space<hbm>>
      tpu.enqueue_dma source(%dma_start3A_12 : memref<80x128xi32, #tpu.memory_space<hbm>>) target(%arg7 : memref<80x128xi32, #tpu.memory_space<vmem>>) target_semaphore(%run_scoped3A_9 : memref<!tpu.dma_semaphore, #tpu.memory_space<semaphore_mem>>)
      %dma_wait3A = arith.constant 0 : i32
      %dma_wait3A_13 = tpu.memref_slice %arg3[%mul3A_2, %dma_wait3A] : memref<2560x128xi32, #tpu.memory_space<hbm>> -> memref<80x128xi32, #tpu.memory_space<hbm>>
      %dma_wait3A_14 = arith.constant 0 : i32
      %dma_wait3A_15 = tpu.memref_slice %arg3[%mul3A_2, %dma_wait3A_14] : memref<2560x128xi32, #tpu.memory_space<hbm>> -> memref<80x128xi32, #tpu.memory_space<hbm>>
      tpu.wait_dma2 semaphore(%run_scoped3A_9 : memref<!tpu.dma_semaphore, #tpu.memory_space<semaphore_mem>>) src(%dma_wait3A_15 : memref<80x128xi32, #tpu.memory_space<hbm>>) dst(%arg7 : memref<80x128xi32, #tpu.memory_space<vmem>>)
      tpu.yield
    }) : () -> ()
    "tpu.region"() ({
      %run_scoped3A_9 = tpu.sem_alloc : memref<!tpu.dma_semaphore, #tpu.memory_space<semaphore_mem>>
      tpu.enqueue_dma source(%arg4 : memref<80x128xf32, #tpu.memory_space<hbm>>) target(%arg8 : memref<80x128xf32, #tpu.memory_space<vmem>>) target_semaphore(%run_scoped3A_9 : memref<!tpu.dma_semaphore, #tpu.memory_space<semaphore_mem>>)
      tpu.wait_dma2 semaphore(%run_scoped3A_9 : memref<!tpu.dma_semaphore, #tpu.memory_space<semaphore_mem>>) src(%arg4 : memref<80x128xf32, #tpu.memory_space<hbm>>) dst(%arg8 : memref<80x128xf32, #tpu.memory_space<vmem>>)
      tpu.yield
    }) : () -> ()
    "tpu.region"() ({
      %run_scoped3A_9 = tpu.sem_alloc : memref<!tpu.dma_semaphore, #tpu.memory_space<semaphore_mem>>
      tpu.enqueue_dma source(%arg4 : memref<80x128xf32, #tpu.memory_space<hbm>>) target(%arg9 : memref<80x128xf32, #tpu.memory_space<vmem>>) target_semaphore(%run_scoped3A_9 : memref<!tpu.dma_semaphore, #tpu.memory_space<semaphore_mem>>)
      tpu.wait_dma2 semaphore(%run_scoped3A_9 : memref<!tpu.dma_semaphore, #tpu.memory_space<semaphore_mem>>) src(%arg4 : memref<80x128xf32, #tpu.memory_space<hbm>>) dst(%arg9 : memref<80x128xf32, #tpu.memory_space<vmem>>)
      tpu.yield
    }) : () -> ()
    %broadcast_in_dim3A = arith.constant 1.000000e+00 : f32
    %broadcast_in_dim3A_3 = vector.broadcast %broadcast_in_dim3A : f32 to vector<16xf32>
    %scan3A = arith.constant 0 : i32
    %scan3A_4 = arith.constant 80 : i32
    %scan3A_5 = arith.addi %scan3A, %scan3A_4 : i32
    %scan3A_6 = arith.constant 1 : i32
    scf.for %scan3A_9 = %scan3A to %scan3A_5 step %scan3A_6  : i32 {
      %get3A = arith.index_cast %scan3A_9 : i32 to index
      %get3A_10 = arith.constant 0 : index
      %get3A_11 = tpu.vector_load %arg6[%get3A, %get3A_10] {strides = array<i32>} : memref<80x128xi32, #tpu.memory_space<vmem>>, vector<16xi32>,
      %shift_right_arithmetic3A = arith.constant 7 : i32
      %shift_right_arithmetic3A_12 = vector.broadcast %shift_right_arithmetic3A : i32 to vector<16xi32>
      %shift_right_arithmetic3A_13 = arith.shrsi %get3A_11, %shift_right_arithmetic3A_12 : vector<16xi32>
      %and3A = arith.constant 127 : i32
      %and3A_14 = vector.broadcast %and3A : i32 to vector<16xi32>
      %and3A_15 = arith.andi %get3A_11, %and3A_14 : vector<16xi32>
      tpu.vector_store_idx %arg8[%shift_right_arithmetic3A_13, %and3A_15], %broadcast_in_dim3A_3 {add = true} : memref<80x128xf32, #tpu.memory_space<vmem>>[vector<16xi32>, vector<16xi32>], vector<16xf32>,
      %get3A_16 = arith.index_cast %scan3A_9 : i32 to index
      %get3A_17 = arith.constant 0 : index
      %get3A_18 = tpu.vector_load %arg7[%get3A_16, %get3A_17] {strides = array<i32>} : memref<80x128xi32, #tpu.memory_space<vmem>>, vector<16xi32>,
      %shift_right_arithmetic3A_19 = arith.constant 7 : i32
      %shift_right_arithmetic3A_20 = vector.broadcast %shift_right_arithmetic3A_19 : i32 to vector<16xi32>
      %shift_right_arithmetic3A_21 = arith.shrsi %get3A_18, %shift_right_arithmetic3A_20 : vector<16xi32>
      %and3A_22 = arith.constant 127 : i32
      %and3A_23 = vector.broadcast %and3A_22 : i32 to vector<16xi32>
      %and3A_24 = arith.andi %get3A_18, %and3A_23 : vector<16xi32>
      tpu.vector_store_idx %arg9[%shift_right_arithmetic3A_21, %and3A_24], %broadcast_in_dim3A_3 {add = true} : memref<80x128xf32, #tpu.memory_space<vmem>>[vector<16xi32>, vector<16xi32>], vector<16xf32>,
      %get3A_25 = arith.index_cast %scan3A_9 : i32 to index
      %get3A_26 = arith.constant 16 : index
      %get3A_27 = tpu.vector_load %arg6[%get3A_25, %get3A_26] {strides = array<i32>} : memref<80x128xi32, #tpu.memory_space<vmem>>, vector<16xi32>,
      %shift_right_arithmetic3A_28 = arith.constant 7 : i32
      %shift_right_arithmetic3A_29 = vector.broadcast %shift_right_arithmetic3A_28 : i32 to vector<16xi32>
      %shift_right_arithmetic3A_30 = arith.shrsi %get3A_27, %shift_right_arithmetic3A_29 : vector<16xi32>
      %and3A_31 = arith.constant 127 : i32
      %and3A_32 = vector.broadcast %and3A_31 : i32 to vector<16xi32>
      %and3A_33 = arith.andi %get3A_27, %and3A_32 : vector<16xi32>
      tpu.vector_store_idx %arg8[%shift_right_arithmetic3A_30, %and3A_33], %broadcast_in_dim3A_3 {add = true} : memref<80x128xf32, #tpu.memory_space<vmem>>[vector<16xi32>, vector<16xi32>], vector<16xf32>,
      %get3A_34 = arith.index_cast %scan3A_9 : i32 to index
      %get3A_35 = arith.constant 16 : index
      %get3A_36 = tpu.vector_load %arg7[%get3A_34, %get3A_35] {strides = array<i32>} : memref<80x128xi32, #tpu.memory_space<vmem>>, vector<16xi32>,
      %shift_right_arithmetic3A_37 = arith.constant 7 : i32
      %shift_right_arithmetic3A_38 = vector.broadcast %shift_right_arithmetic3A_37 : i32 to vector<16xi32>
      %shift_right_arithmetic3A_39 = arith.shrsi %get3A_36, %shift_right_arithmetic3A_38 : vector<16xi32>
      %and3A_40 = arith.constant 127 : i32
      %and3A_41 = vector.broadcast %and3A_40 : i32 to vector<16xi32>
      %and3A_42 = arith.andi %get3A_36, %and3A_41 : vector<16xi32>
      tpu.vector_store_idx %arg9[%shift_right_arithmetic3A_39, %and3A_42], %broadcast_in_dim3A_3 {add = true} : memref<80x128xf32, #tpu.memory_space<vmem>>[vector<16xi32>, vector<16xi32>], vector<16xf32>,
      %get3A_43 = arith.index_cast %scan3A_9 : i32 to index
      %get3A_44 = arith.constant 32 : index
      %get3A_45 = tpu.vector_load %arg6[%get3A_43, %get3A_44] {strides = array<i32>} : memref<80x128xi32, #tpu.memory_space<vmem>>, vector<16xi32>,
      %shift_right_arithmetic3A_46 = arith.constant 7 : i32
      %shift_right_arithmetic3A_47 = vector.broadcast %shift_right_arithmetic3A_46 : i32 to vector<16xi32>
      %shift_right_arithmetic3A_48 = arith.shrsi %get3A_45, %shift_right_arithmetic3A_47 : vector<16xi32>
      %and3A_49 = arith.constant 127 : i32
      %and3A_50 = vector.broadcast %and3A_49 : i32 to vector<16xi32>
      %and3A_51 = arith.andi %get3A_45, %and3A_50 : vector<16xi32>
      tpu.vector_store_idx %arg8[%shift_right_arithmetic3A_48, %and3A_51], %broadcast_in_dim3A_3 {add = true} : memref<80x128xf32, #tpu.memory_space<vmem>>[vector<16xi32>, vector<16xi32>], vector<16xf32>,
      %get3A_52 = arith.index_cast %scan3A_9 : i32 to index
      %get3A_53 = arith.constant 32 : index
      %get3A_54 = tpu.vector_load %arg7[%get3A_52, %get3A_53] {strides = array<i32>} : memref<80x128xi32, #tpu.memory_space<vmem>>, vector<16xi32>,
      %shift_right_arithmetic3A_55 = arith.constant 7 : i32
      %shift_right_arithmetic3A_56 = vector.broadcast %shift_right_arithmetic3A_55 : i32 to vector<16xi32>
      %shift_right_arithmetic3A_57 = arith.shrsi %get3A_54, %shift_right_arithmetic3A_56 : vector<16xi32>
      %and3A_58 = arith.constant 127 : i32
      %and3A_59 = vector.broadcast %and3A_58 : i32 to vector<16xi32>
      %and3A_60 = arith.andi %get3A_54, %and3A_59 : vector<16xi32>
      tpu.vector_store_idx %arg9[%shift_right_arithmetic3A_57, %and3A_60], %broadcast_in_dim3A_3 {add = true} : memref<80x128xf32, #tpu.memory_space<vmem>>[vector<16xi32>, vector<16xi32>], vector<16xf32>,
      %get3A_61 = arith.index_cast %scan3A_9 : i32 to index
      %get3A_62 = arith.constant 48 : index
      %get3A_63 = tpu.vector_load %arg6[%get3A_61, %get3A_62] {strides = array<i32>} : memref<80x128xi32, #tpu.memory_space<vmem>>, vector<16xi32>,
      %shift_right_arithmetic3A_64 = arith.constant 7 : i32
      %shift_right_arithmetic3A_65 = vector.broadcast %shift_right_arithmetic3A_64 : i32 to vector<16xi32>
      %shift_right_arithmetic3A_66 = arith.shrsi %get3A_63, %shift_right_arithmetic3A_65 : vector<16xi32>
      %and3A_67 = arith.constant 127 : i32
      %and3A_68 = vector.broadcast %and3A_67 : i32 to vector<16xi32>
      %and3A_69 = arith.andi %get3A_63, %and3A_68 : vector<16xi32>
      tpu.vector_store_idx %arg8[%shift_right_arithmetic3A_66, %and3A_69], %broadcast_in_dim3A_3 {add = true} : memref<80x128xf32, #tpu.memory_space<vmem>>[vector<16xi32>, vector<16xi32>], vector<16xf32>,
      %get3A_70 = arith.index_cast %scan3A_9 : i32 to index
      %get3A_71 = arith.constant 48 : index
      %get3A_72 = tpu.vector_load %arg7[%get3A_70, %get3A_71] {strides = array<i32>} : memref<80x128xi32, #tpu.memory_space<vmem>>, vector<16xi32>,
      %shift_right_arithmetic3A_73 = arith.constant 7 : i32
      %shift_right_arithmetic3A_74 = vector.broadcast %shift_right_arithmetic3A_73 : i32 to vector<16xi32>
      %shift_right_arithmetic3A_75 = arith.shrsi %get3A_72, %shift_right_arithmetic3A_74 : vector<16xi32>
      %and3A_76 = arith.constant 127 : i32
      %and3A_77 = vector.broadcast %and3A_76 : i32 to vector<16xi32>
      %and3A_78 = arith.andi %get3A_72, %and3A_77 : vector<16xi32>
      tpu.vector_store_idx %arg9[%shift_right_arithmetic3A_75, %and3A_78], %broadcast_in_dim3A_3 {add = true} : memref<80x128xf32, #tpu.memory_space<vmem>>[vector<16xi32>, vector<16xi32>], vector<16xf32>,
      %get3A_79 = arith.index_cast %scan3A_9 : i32 to index
      %get3A_80 = arith.constant 64 : index
      %get3A_81 = tpu.vector_load %arg6[%get3A_79, %get3A_80] {strides = array<i32>} : memref<80x128xi32, #tpu.memory_space<vmem>>, vector<16xi32>,
      %shift_right_arithmetic3A_82 = arith.constant 7 : i32
      %shift_right_arithmetic3A_83 = vector.broadcast %shift_right_arithmetic3A_82 : i32 to vector<16xi32>
      %shift_right_arithmetic3A_84 = arith.shrsi %get3A_81, %shift_right_arithmetic3A_83 : vector<16xi32>
      %and3A_85 = arith.constant 127 : i32
      %and3A_86 = vector.broadcast %and3A_85 : i32 to vector<16xi32>
      %and3A_87 = arith.andi %get3A_81, %and3A_86 : vector<16xi32>
      tpu.vector_store_idx %arg8[%shift_right_arithmetic3A_84, %and3A_87], %broadcast_in_dim3A_3 {add = true} : memref<80x128xf32, #tpu.memory_space<vmem>>[vector<16xi32>, vector<16xi32>], vector<16xf32>,
      %get3A_88 = arith.index_cast %scan3A_9 : i32 to index
      %get3A_89 = arith.constant 64 : index
      %get3A_90 = tpu.vector_load %arg7[%get3A_88, %get3A_89] {strides = array<i32>} : memref<80x128xi32, #tpu.memory_space<vmem>>, vector<16xi32>,
      %shift_right_arithmetic3A_91 = arith.constant 7 : i32
      %shift_right_arithmetic3A_92 = vector.broadcast %shift_right_arithmetic3A_91 : i32 to vector<16xi32>
      %shift_right_arithmetic3A_93 = arith.shrsi %get3A_90, %shift_right_arithmetic3A_92 : vector<16xi32>
      %and3A_94 = arith.constant 127 : i32
      %and3A_95 = vector.broadcast %and3A_94 : i32 to vector<16xi32>
      %and3A_96 = arith.andi %get3A_90, %and3A_95 : vector<16xi32>
      tpu.vector_store_idx %arg9[%shift_right_arithmetic3A_93, %and3A_96], %broadcast_in_dim3A_3 {add = true} : memref<80x128xf32, #tpu.memory_space<vmem>>[vector<16xi32>, vector<16xi32>], vector<16xf32>,
      %get3A_97 = arith.index_cast %scan3A_9 : i32 to index
      %get3A_98 = arith.constant 80 : index
      %get3A_99 = tpu.vector_load %arg6[%get3A_97, %get3A_98] {strides = array<i32>} : memref<80x128xi32, #tpu.memory_space<vmem>>, vector<16xi32>,
      %shift_right_arithmetic3A_100 = arith.constant 7 : i32
      %shift_right_arithmetic3A_101 = vector.broadcast %shift_right_arithmetic3A_100 : i32 to vector<16xi32>
      %shift_right_arithmetic3A_102 = arith.shrsi %get3A_99, %shift_right_arithmetic3A_101 : vector<16xi32>
      %and3A_103 = arith.constant 127 : i32
      %and3A_104 = vector.broadcast %and3A_103 : i32 to vector<16xi32>
      %and3A_105 = arith.andi %get3A_99, %and3A_104 : vector<16xi32>
      tpu.vector_store_idx %arg8[%shift_right_arithmetic3A_102, %and3A_105], %broadcast_in_dim3A_3 {add = true} : memref<80x128xf32, #tpu.memory_space<vmem>>[vector<16xi32>, vector<16xi32>], vector<16xf32>,
      %get3A_106 = arith.index_cast %scan3A_9 : i32 to index
      %get3A_107 = arith.constant 80 : index
      %get3A_108 = tpu.vector_load %arg7[%get3A_106, %get3A_107] {strides = array<i32>} : memref<80x128xi32, #tpu.memory_space<vmem>>, vector<16xi32>,
      %shift_right_arithmetic3A_109 = arith.constant 7 : i32
      %shift_right_arithmetic3A_110 = vector.broadcast %shift_right_arithmetic3A_109 : i32 to vector<16xi32>
      %shift_right_arithmetic3A_111 = arith.shrsi %get3A_108, %shift_right_arithmetic3A_110 : vector<16xi32>
      %and3A_112 = arith.constant 127 : i32
      %and3A_113 = vector.broadcast %and3A_112 : i32 to vector<16xi32>
      %and3A_114 = arith.andi %get3A_108, %and3A_113 : vector<16xi32>
      tpu.vector_store_idx %arg9[%shift_right_arithmetic3A_111, %and3A_114], %broadcast_in_dim3A_3 {add = true} : memref<80x128xf32, #tpu.memory_space<vmem>>[vector<16xi32>, vector<16xi32>], vector<16xf32>,
      %get3A_115 = arith.index_cast %scan3A_9 : i32 to index
      %get3A_116 = arith.constant 96 : index
      %get3A_117 = tpu.vector_load %arg6[%get3A_115, %get3A_116] {strides = array<i32>} : memref<80x128xi32, #tpu.memory_space<vmem>>, vector<16xi32>,
      %shift_right_arithmetic3A_118 = arith.constant 7 : i32
      %shift_right_arithmetic3A_119 = vector.broadcast %shift_right_arithmetic3A_118 : i32 to vector<16xi32>
      %shift_right_arithmetic3A_120 = arith.shrsi %get3A_117, %shift_right_arithmetic3A_119 : vector<16xi32>
      %and3A_121 = arith.constant 127 : i32
      %and3A_122 = vector.broadcast %and3A_121 : i32 to vector<16xi32>
      %and3A_123 = arith.andi %get3A_117, %and3A_122 : vector<16xi32>
      tpu.vector_store_idx %arg8[%shift_right_arithmetic3A_120, %and3A_123], %broadcast_in_dim3A_3 {add = true} : memref<80x128xf32, #tpu.memory_space<vmem>>[vector<16xi32>, vector<16xi32>], vector<16xf32>,
      %get3A_124 = arith.index_cast %scan3A_9 : i32 to index
      %get3A_125 = arith.constant 96 : index
      %get3A_126 = tpu.vector_load %arg7[%get3A_124, %get3A_125] {strides = array<i32>} : memref<80x128xi32, #tpu.memory_space<vmem>>, vector<16xi32>,
      %shift_right_arithmetic3A_127 = arith.constant 7 : i32
      %shift_right_arithmetic3A_128 = vector.broadcast %shift_right_arithmetic3A_127 : i32 to vector<16xi32>
      %shift_right_arithmetic3A_129 = arith.shrsi %get3A_126, %shift_right_arithmetic3A_128 : vector<16xi32>
      %and3A_130 = arith.constant 127 : i32
      %and3A_131 = vector.broadcast %and3A_130 : i32 to vector<16xi32>
      %and3A_132 = arith.andi %get3A_126, %and3A_131 : vector<16xi32>
      tpu.vector_store_idx %arg9[%shift_right_arithmetic3A_129, %and3A_132], %broadcast_in_dim3A_3 {add = true} : memref<80x128xf32, #tpu.memory_space<vmem>>[vector<16xi32>, vector<16xi32>], vector<16xf32>,
      %get3A_133 = arith.index_cast %scan3A_9 : i32 to index
      %get3A_134 = arith.constant 112 : index
      %get3A_135 = tpu.vector_load %arg6[%get3A_133, %get3A_134] {strides = array<i32>} : memref<80x128xi32, #tpu.memory_space<vmem>>, vector<16xi32>,
      %shift_right_arithmetic3A_136 = arith.constant 7 : i32
      %shift_right_arithmetic3A_137 = vector.broadcast %shift_right_arithmetic3A_136 : i32 to vector<16xi32>
      %shift_right_arithmetic3A_138 = arith.shrsi %get3A_135, %shift_right_arithmetic3A_137 : vector<16xi32>
      %and3A_139 = arith.constant 127 : i32
      %and3A_140 = vector.broadcast %and3A_139 : i32 to vector<16xi32>
      %and3A_141 = arith.andi %get3A_135, %and3A_140 : vector<16xi32>
      tpu.vector_store_idx %arg8[%shift_right_arithmetic3A_138, %and3A_141], %broadcast_in_dim3A_3 {add = true} : memref<80x128xf32, #tpu.memory_space<vmem>>[vector<16xi32>, vector<16xi32>], vector<16xf32>,
      %get3A_142 = arith.index_cast %scan3A_9 : i32 to index
      %get3A_143 = arith.constant 112 : index
      %get3A_144 = tpu.vector_load %arg7[%get3A_142, %get3A_143] {strides = array<i32>} : memref<80x128xi32, #tpu.memory_space<vmem>>, vector<16xi32>,
      %shift_right_arithmetic3A_145 = arith.constant 7 : i32
      %shift_right_arithmetic3A_146 = vector.broadcast %shift_right_arithmetic3A_145 : i32 to vector<16xi32>
      %shift_right_arithmetic3A_147 = arith.shrsi %get3A_144, %shift_right_arithmetic3A_146 : vector<16xi32>
      %and3A_148 = arith.constant 127 : i32
      %and3A_149 = vector.broadcast %and3A_148 : i32 to vector<16xi32>
      %and3A_150 = arith.andi %get3A_144, %and3A_149 : vector<16xi32>
      tpu.vector_store_idx %arg9[%shift_right_arithmetic3A_147, %and3A_150], %broadcast_in_dim3A_3 {add = true} : memref<80x128xf32, #tpu.memory_space<vmem>>[vector<16xi32>, vector<16xi32>], vector<16xf32>,
    }
    %scan3A_7 = arith.constant 80 : i32
    %run_scoped3A = arith.constant 0 : i32
    "tpu.region"() ({
      %run_scoped3A_9 = tpu.sem_alloc : memref<!tpu.dma_semaphore, #tpu.memory_space<semaphore_mem>>
      %dma_start3A = arith.constant 0 : i32
      %dma_start3A_10 = arith.constant 0 : i32
      %dma_start3A_11 = tpu.memref_slice %arg5[%add3A, %run_scoped3A, %dma_start3A, %dma_start3A_10] : memref<32x2x80x128xf32, #tpu.memory_space<hbm>> -> memref<1x1x80x128xf32, #tpu.memory_space<hbm>>
      %dma_start3A_12 = tpu.memref_squeeze %dma_start3A_11 : memref<1x1x80x128xf32, #tpu.memory_space<hbm>> -> memref<80x128xf32, #tpu.memory_space<hbm>>
      %dma_start3A_13 = arith.constant 0 : i32
      %dma_start3A_14 = arith.constant 0 : i32
      %dma_start3A_15 = tpu.memref_slice %arg5[%add3A, %run_scoped3A, %dma_start3A_13, %dma_start3A_14] : memref<32x2x80x128xf32, #tpu.memory_space<hbm>> -> memref<1x1x80x128xf32, #tpu.memory_space<hbm>>
      %dma_start3A_16 = tpu.memref_squeeze %dma_start3A_15 : memref<1x1x80x128xf32, #tpu.memory_space<hbm>> -> memref<80x128xf32, #tpu.memory_space<hbm>>
      tpu.enqueue_dma source(%arg8 : memref<80x128xf32, #tpu.memory_space<vmem>>) target(%dma_start3A_16 : memref<80x128xf32, #tpu.memory_space<hbm>>) target_semaphore(%run_scoped3A_9 : memref<!tpu.dma_semaphore, #tpu.memory_space<semaphore_mem>>)
      %dma_wait3A = arith.constant 0 : i32
      %dma_wait3A_17 = arith.constant 0 : i32
      %dma_wait3A_18 = tpu.memref_slice %arg5[%add3A, %run_scoped3A, %dma_wait3A, %dma_wait3A_17] : memref<32x2x80x128xf32, #tpu.memory_space<hbm>> -> memref<1x1x80x128xf32, #tpu.memory_space<hbm>>
      %dma_wait3A_19 = tpu.memref_squeeze %dma_wait3A_18 : memref<1x1x80x128xf32, #tpu.memory_space<hbm>> -> memref<80x128xf32, #tpu.memory_space<hbm>>
      %dma_wait3A_20 = arith.constant 0 : i32
      %dma_wait3A_21 = arith.constant 0 : i32
      %dma_wait3A_22 = tpu.memref_slice %arg5[%add3A, %run_scoped3A, %dma_wait3A_20, %dma_wait3A_21] : memref<32x2x80x128xf32, #tpu.memory_space<hbm>> -> memref<1x1x80x128xf32, #tpu.memory_space<hbm>>
      %dma_wait3A_23 = tpu.memref_squeeze %dma_wait3A_22 : memref<1x1x80x128xf32, #tpu.memory_space<hbm>> -> memref<80x128xf32, #tpu.memory_space<hbm>>
      tpu.wait_dma2 semaphore(%run_scoped3A_9 : memref<!tpu.dma_semaphore, #tpu.memory_space<semaphore_mem>>) src(%arg8 : memref<80x128xf32, #tpu.memory_space<vmem>>) dst(%dma_wait3A_23 : memref<80x128xf32, #tpu.memory_space<hbm>>)
      tpu.yield
    }) : () -> ()
    %run_scoped3A_8 = arith.constant 1 : i32
    "tpu.region"() ({
      %run_scoped3A_9 = tpu.sem_alloc : memref<!tpu.dma_semaphore, #tpu.memory_space<semaphore_mem>>
      %dma_start3A = arith.constant 0 : i32
      %dma_start3A_10 = arith.constant 0 : i32
      %dma_start3A_11 = tpu.memref_slice %arg5[%add3A, %run_scoped3A_8, %dma_start3A, %dma_start3A_10] : memref<32x2x80x128xf32, #tpu.memory_space<hbm>> -> memref<1x1x80x128xf32, #tpu.memory_space<hbm>>
      %dma_start3A_12 = tpu.memref_squeeze %dma_start3A_11 : memref<1x1x80x128xf32, #tpu.memory_space<hbm>> -> memref<80x128xf32, #tpu.memory_space<hbm>>
      %dma_start3A_13 = arith.constant 0 : i32
      %dma_start3A_14 = arith.constant 0 : i32
      %dma_start3A_15 = tpu.memref_slice %arg5[%add3A, %run_scoped3A_8, %dma_start3A_13, %dma_start3A_14] : memref<32x2x80x128xf32, #tpu.memory_space<hbm>> -> memref<1x1x80x128xf32, #tpu.memory_space<hbm>>
      %dma_start3A_16 = tpu.memref_squeeze %dma_start3A_15 : memref<1x1x80x128xf32, #tpu.memory_space<hbm>> -> memref<80x128xf32, #tpu.memory_space<hbm>>
      tpu.enqueue_dma source(%arg9 : memref<80x128xf32, #tpu.memory_space<vmem>>) target(%dma_start3A_16 : memref<80x128xf32, #tpu.memory_space<hbm>>) target_semaphore(%run_scoped3A_9 : memref<!tpu.dma_semaphore, #tpu.memory_space<semaphore_mem>>)
      %dma_wait3A = arith.constant 0 : i32
      %dma_wait3A_17 = arith.constant 0 : i32
      %dma_wait3A_18 = tpu.memref_slice %arg5[%add3A, %run_scoped3A_8, %dma_wait3A, %dma_wait3A_17] : memref<32x2x80x128xf32, #tpu.memory_space<hbm>> -> memref<1x1x80x128xf32, #tpu.memory_space<hbm>>
      %dma_wait3A_19 = tpu.memref_squeeze %dma_wait3A_18 : memref<1x1x80x128xf32, #tpu.memory_space<hbm>> -> memref<80x128xf32, #tpu.memory_space<hbm>>
      %dma_wait3A_20 = arith.constant 0 : i32
      %dma_wait3A_21 = arith.constant 0 : i32
      %dma_wait3A_22 = tpu.memref_slice %arg5[%add3A, %run_scoped3A_8, %dma_wait3A_20, %dma_wait3A_21] : memref<32x2x80x128xf32, #tpu.memory_space<hbm>> -> memref<1x1x80x128xf32, #tpu.memory_space<hbm>>
      %dma_wait3A_23 = tpu.memref_squeeze %dma_wait3A_22 : memref<1x1x80x128xf32, #tpu.memory_space<hbm>> -> memref<80x128xf32, #tpu.memory_space<hbm>>
      tpu.wait_dma2 semaphore(%run_scoped3A_9 : memref<!tpu.dma_semaphore, #tpu.memory_space<semaphore_mem>>) src(%arg9 : memref<80x128xf32, #tpu.memory_space<vmem>>) dst(%dma_wait3A_23 : memref<80x128xf32, #tpu.memory_space<hbm>>)
      tpu.yield
    }) : () -> ()
    return
  }
}

#map = affine_map<(d0, d1) -> (0, 0)>
#map1 = affine_map<(d0, d1) -> (0, 0, 0)>
module attributes {stable_mosaic.version = 14 : i64} {
  func.func @_spmm_kernel(%arg0: i32, %arg1: i32, %arg2: memref<10000x128xf32, #tpu.memory_space<hbm>>, %arg3: memref<2560x128xi32, #tpu.memory_space<hbm>>, %arg4: memref<2560x128xi32, #tpu.memory_space<hbm>>, %arg5: memref<632x128xf32, #tpu.memory_space<hbm>>, %arg6: memref<2x10112x128xf32, #tpu.memory_space<hbm>>, %arg7: memref<2x16x128xi32, #tpu.memory_space<vmem>>, %arg8: memref<2x16x128xi32, #tpu.memory_space<vmem>>, %arg9: memref<2x128x128xf32, #tpu.memory_space<vmem>>, %arg10: memref<10112x128xf32, #tpu.memory_space<vmem_shared>>, %arg11: memref<!tpu.dma_semaphore, #tpu.memory_space<semaphore_mem>>, %arg12: memref<!tpu.dma_semaphore, #tpu.memory_space<semaphore_mem>>) attributes {dimension_semantics = [#tpu.dimension_semantics<core_parallel>, #tpu.dimension_semantics<subcore_parallel>], iteration_bounds = array<i64: 2, 16>, scalar_prefetch = 0 : i64, scratch_operands = 6 : i64, tpu.core_type = #tpu.core_type<sc_vector_subcore>, window_params = [{transform_indices = #map}, {transform_indices = #map}, {transform_indices = #map}, {transform_indices = #map}, {transform_indices = #map1}]} {
    %mul3A = arith.constant 16 : i32
    %mul3A_0 = arith.muli %arg0, %mul3A : i32
    %add3A = arith.addi %mul3A_0, %arg1 : i32
    %mul3A_1 = arith.constant 80 : i32
    %mul3A_2 = arith.muli %add3A, %mul3A_1 : i32
    %mul3A_3 = arith.constant 632 : i32
    %mul3A_4 = arith.muli %arg1, %mul3A_3 : i32
    "tpu.region"() ({
      %run_scoped3A = tpu.sem_alloc : memref<!tpu.dma_semaphore, #tpu.memory_space<semaphore_mem>>
      %dma_start3A = arith.constant 0 : i32
      %dma_start3A_43 = tpu.memref_slice %arg10[%mul3A_4, %dma_start3A] : memref<10112x128xf32, #tpu.memory_space<vmem_shared>> -> memref<632x128xf32, #tpu.memory_space<vmem_shared>>
      tpu.enqueue_dma source(%arg5 : memref<632x128xf32, #tpu.memory_space<hbm>>) target(%dma_start3A_43 : memref<632x128xf32, #tpu.memory_space<vmem_shared>>) target_semaphore(%run_scoped3A : memref<!tpu.dma_semaphore, #tpu.memory_space<semaphore_mem>>)
      %dma_wait3A_44 = arith.constant 0 : i32
      %dma_wait3A_45 = tpu.memref_slice %arg10[%mul3A_4, %dma_wait3A_44] : memref<10112x128xf32, #tpu.memory_space<vmem_shared>> -> memref<632x128xf32, #tpu.memory_space<vmem_shared>>
      tpu.wait_dma2 semaphore(%run_scoped3A : memref<!tpu.dma_semaphore, #tpu.memory_space<semaphore_mem>>) src(%arg5 : memref<632x128xf32, #tpu.memory_space<hbm>>) dst(%dma_wait3A_45 : memref<632x128xf32, #tpu.memory_space<vmem_shared>>)
      tpu.yield
    }) : () -> ()
    %barrier3A = arith.constant 0 : index
    tpu.barrier barrier_id(%barrier3A)
    %scan3A = arith.constant 0 : i32
    %scan3A_5 = arith.constant 80 : i32
    %scan3A_6 = arith.addi %scan3A, %scan3A_5 : i32
    %scan3A_7 = arith.constant 1 : i32
    scf.for %scan3A_43 = %scan3A to %scan3A_6 step %scan3A_7  : i32 {
      %div3A = arith.constant 16 : i32
      %div3A_44 = arith.divsi %scan3A_43, %div3A : i32
      %rem3A = arith.constant 2 : i32
      %rem3A_45 = arith.remsi %div3A_44, %rem3A : i32
      %rem3A_46 = arith.constant 16 : i32
      %rem3A_47 = arith.remsi %scan3A_43, %rem3A_46 : i32
      %rem3A_48 = arith.constant 2 : i32
      %rem3A_49 = arith.remsi %scan3A_43, %rem3A_48 : i32
      %eq3A = arith.constant 0 : i32
      %eq3A_50 = arith.cmpi eq, %rem3A_47, %eq3A : i32
      %convert_element_type3A = arith.extui %eq3A_50 : i1 to i32
      %cond3A = arith.constant 0 : i32
      %cond3A_51 = arith.cmpi ne, %convert_element_type3A, %cond3A : i32
      scf.if %cond3A_51 {
        %mul3A_90 = arith.constant 16 : i32
        %mul3A_91 = arith.muli %div3A_44, %mul3A_90 : i32
        %add3A_92 = arith.addi %mul3A_2, %mul3A_91 : i32
        "tpu.region"() ({
          %run_scoped3A = tpu.sem_alloc : memref<!tpu.dma_semaphore, #tpu.memory_space<semaphore_mem>>
          %dma_start3A_96 = arith.constant 0 : i32
          %dma_start3A_97 = arith.constant 0 : i32
          %dma_start3A_98 = tpu.memref_slice %arg7[%rem3A_45, %dma_start3A_96, %dma_start3A_97] : memref<2x16x128xi32, #tpu.memory_space<vmem>> -> memref<1x16x128xi32, #tpu.memory_space<vmem>>
          %dma_start3A_99 = tpu.memref_squeeze %dma_start3A_98 : memref<1x16x128xi32, #tpu.memory_space<vmem>> -> memref<16x128xi32, #tpu.memory_space<vmem>>
          %dma_start3A_100 = arith.constant 0 : i32
          %dma_start3A_101 = tpu.memref_slice %arg3[%add3A_92, %dma_start3A_100] : memref<2560x128xi32, #tpu.memory_space<hbm>> -> memref<16x128xi32, #tpu.memory_space<hbm>>
          %dma_start3A_102 = arith.constant 0 : i32
          %dma_start3A_103 = arith.constant 0 : i32
          %dma_start3A_104 = tpu.memref_slice %arg7[%rem3A_45, %dma_start3A_102, %dma_start3A_103] : memref<2x16x128xi32, #tpu.memory_space<vmem>> -> memref<1x16x128xi32, #tpu.memory_space<vmem>>
          %dma_start3A_105 = tpu.memref_squeeze %dma_start3A_104 : memref<1x16x128xi32, #tpu.memory_space<vmem>> -> memref<16x128xi32, #tpu.memory_space<vmem>>
          %dma_start3A_106 = arith.constant 0 : i32
          %dma_start3A_107 = tpu.memref_slice %arg3[%add3A_92, %dma_start3A_106] : memref<2560x128xi32, #tpu.memory_space<hbm>> -> memref<16x128xi32, #tpu.memory_space<hbm>>
          tpu.enqueue_dma source(%dma_start3A_107 : memref<16x128xi32, #tpu.memory_space<hbm>>) target(%dma_start3A_105 : memref<16x128xi32, #tpu.memory_space<vmem>>) target_semaphore(%run_scoped3A : memref<!tpu.dma_semaphore, #tpu.memory_space<semaphore_mem>>)
          %dma_wait3A_108 = arith.constant 0 : i32
          %dma_wait3A_109 = arith.constant 0 : i32
          %dma_wait3A_110 = tpu.memref_slice %arg7[%rem3A_45, %dma_wait3A_108, %dma_wait3A_109] : memref<2x16x128xi32, #tpu.memory_space<vmem>> -> memref<1x16x128xi32, #tpu.memory_space<vmem>>
          %dma_wait3A_111 = tpu.memref_squeeze %dma_wait3A_110 : memref<1x16x128xi32, #tpu.memory_space<vmem>> -> memref<16x128xi32, #tpu.memory_space<vmem>>
          %dma_wait3A_112 = arith.constant 0 : i32
          %dma_wait3A_113 = tpu.memref_slice %arg3[%add3A_92, %dma_wait3A_112] : memref<2560x128xi32, #tpu.memory_space<hbm>> -> memref<16x128xi32, #tpu.memory_space<hbm>>
          %dma_wait3A_114 = arith.constant 0 : i32
          %dma_wait3A_115 = arith.constant 0 : i32
          %dma_wait3A_116 = tpu.memref_slice %arg7[%rem3A_45, %dma_wait3A_114, %dma_wait3A_115] : memref<2x16x128xi32, #tpu.memory_space<vmem>> -> memref<1x16x128xi32, #tpu.memory_space<vmem>>
          %dma_wait3A_117 = tpu.memref_squeeze %dma_wait3A_116 : memref<1x16x128xi32, #tpu.memory_space<vmem>> -> memref<16x128xi32, #tpu.memory_space<vmem>>
          %dma_wait3A_118 = arith.constant 0 : i32
          %dma_wait3A_119 = tpu.memref_slice %arg3[%add3A_92, %dma_wait3A_118] : memref<2560x128xi32, #tpu.memory_space<hbm>> -> memref<16x128xi32, #tpu.memory_space<hbm>>
          tpu.wait_dma2 semaphore(%run_scoped3A : memref<!tpu.dma_semaphore, #tpu.memory_space<semaphore_mem>>) src(%dma_wait3A_119 : memref<16x128xi32, #tpu.memory_space<hbm>>) dst(%dma_wait3A_117 : memref<16x128xi32, #tpu.memory_space<vmem>>)
          tpu.yield
        }) : () -> ()
        %mul3A_93 = arith.constant 16 : i32
        %mul3A_94 = arith.muli %div3A_44, %mul3A_93 : i32
        %add3A_95 = arith.addi %mul3A_2, %mul3A_94 : i32
        "tpu.region"() ({
          %run_scoped3A = tpu.sem_alloc : memref<!tpu.dma_semaphore, #tpu.memory_space<semaphore_mem>>
          %dma_start3A_96 = arith.constant 0 : i32
          %dma_start3A_97 = arith.constant 0 : i32
          %dma_start3A_98 = tpu.memref_slice %arg8[%rem3A_45, %dma_start3A_96, %dma_start3A_97] : memref<2x16x128xi32, #tpu.memory_space<vmem>> -> memref<1x16x128xi32, #tpu.memory_space<vmem>>
          %dma_start3A_99 = tpu.memref_squeeze %dma_start3A_98 : memref<1x16x128xi32, #tpu.memory_space<vmem>> -> memref<16x128xi32, #tpu.memory_space<vmem>>
          %dma_start3A_100 = arith.constant 0 : i32
          %dma_start3A_101 = tpu.memref_slice %arg4[%add3A_95, %dma_start3A_100] : memref<2560x128xi32, #tpu.memory_space<hbm>> -> memref<16x128xi32, #tpu.memory_space<hbm>>
          %dma_start3A_102 = arith.constant 0 : i32
          %dma_start3A_103 = arith.constant 0 : i32
          %dma_start3A_104 = tpu.memref_slice %arg8[%rem3A_45, %dma_start3A_102, %dma_start3A_103] : memref<2x16x128xi32, #tpu.memory_space<vmem>> -> memref<1x16x128xi32, #tpu.memory_space<vmem>>
          %dma_start3A_105 = tpu.memref_squeeze %dma_start3A_104 : memref<1x16x128xi32, #tpu.memory_space<vmem>> -> memref<16x128xi32, #tpu.memory_space<vmem>>
          %dma_start3A_106 = arith.constant 0 : i32
          %dma_start3A_107 = tpu.memref_slice %arg4[%add3A_95, %dma_start3A_106] : memref<2560x128xi32, #tpu.memory_space<hbm>> -> memref<16x128xi32, #tpu.memory_space<hbm>>
          tpu.enqueue_dma source(%dma_start3A_107 : memref<16x128xi32, #tpu.memory_space<hbm>>) target(%dma_start3A_105 : memref<16x128xi32, #tpu.memory_space<vmem>>) target_semaphore(%run_scoped3A : memref<!tpu.dma_semaphore, #tpu.memory_space<semaphore_mem>>)
          %dma_wait3A_108 = arith.constant 0 : i32
          %dma_wait3A_109 = arith.constant 0 : i32
          %dma_wait3A_110 = tpu.memref_slice %arg8[%rem3A_45, %dma_wait3A_108, %dma_wait3A_109] : memref<2x16x128xi32, #tpu.memory_space<vmem>> -> memref<1x16x128xi32, #tpu.memory_space<vmem>>
          %dma_wait3A_111 = tpu.memref_squeeze %dma_wait3A_110 : memref<1x16x128xi32, #tpu.memory_space<vmem>> -> memref<16x128xi32, #tpu.memory_space<vmem>>
          %dma_wait3A_112 = arith.constant 0 : i32
          %dma_wait3A_113 = tpu.memref_slice %arg4[%add3A_95, %dma_wait3A_112] : memref<2560x128xi32, #tpu.memory_space<hbm>> -> memref<16x128xi32, #tpu.memory_space<hbm>>
          %dma_wait3A_114 = arith.constant 0 : i32
          %dma_wait3A_115 = arith.constant 0 : i32
          %dma_wait3A_116 = tpu.memref_slice %arg8[%rem3A_45, %dma_wait3A_114, %dma_wait3A_115] : memref<2x16x128xi32, #tpu.memory_space<vmem>> -> memref<1x16x128xi32, #tpu.memory_space<vmem>>
          %dma_wait3A_117 = tpu.memref_squeeze %dma_wait3A_116 : memref<1x16x128xi32, #tpu.memory_space<vmem>> -> memref<16x128xi32, #tpu.memory_space<vmem>>
          %dma_wait3A_118 = arith.constant 0 : i32
          %dma_wait3A_119 = tpu.memref_slice %arg4[%add3A_95, %dma_wait3A_118] : memref<2560x128xi32, #tpu.memory_space<hbm>> -> memref<16x128xi32, #tpu.memory_space<hbm>>
          tpu.wait_dma2 semaphore(%run_scoped3A : memref<!tpu.dma_semaphore, #tpu.memory_space<semaphore_mem>>) src(%dma_wait3A_119 : memref<16x128xi32, #tpu.memory_space<hbm>>) dst(%dma_wait3A_117 : memref<16x128xi32, #tpu.memory_space<vmem>>)
          tpu.yield
        }) : () -> ()
      } else {
      }
      %ge3A = arith.constant 2 : i32
      %ge3A_52 = arith.cmpi sge, %scan3A_43, %ge3A : i32
      %convert_element_type3A_53 = arith.extui %ge3A_52 : i1 to i32
      %cond3A_54 = arith.constant 0 : i32
      %cond3A_55 = arith.cmpi ne, %convert_element_type3A_53, %cond3A_54 : i32
      scf.if %cond3A_55 {
        %dma_wait3A_90 = arith.constant 0 : i32
        %dma_wait3A_91 = arith.constant 0 : i32
        %dma_wait3A_92 = arith.constant 0 : i32
        %dma_wait3A_93 = tpu.memref_slice %arg9[%dma_wait3A_90, %dma_wait3A_91, %dma_wait3A_92] : memref<2x128x128xf32, #tpu.memory_space<vmem>> -> memref<1x128x128xf32, #tpu.memory_space<vmem>>
        %dma_wait3A_94 = tpu.memref_squeeze %dma_wait3A_93 : memref<1x128x128xf32, #tpu.memory_space<vmem>> -> memref<128x128xf32, #tpu.memory_space<vmem>>
        %dma_wait3A_95 = arith.constant 0 : i32
        %dma_wait3A_96 = arith.constant 0 : i32
        %dma_wait3A_97 = tpu.memref_slice %arg10[%dma_wait3A_95, %dma_wait3A_96] : memref<10112x128xf32, #tpu.memory_space<vmem_shared>> -> memref<128x128xf32, #tpu.memory_space<vmem_shared>>
        %dma_wait3A_98 = arith.constant 0 : i32
        %dma_wait3A_99 = arith.constant 0 : i32
        %dma_wait3A_100 = tpu.memref_slice %arg10[%dma_wait3A_98, %dma_wait3A_99] : memref<10112x128xf32, #tpu.memory_space<vmem_shared>> -> memref<128x128xf32, #tpu.memory_space<vmem_shared>>
        %dma_wait3A_101 = arith.constant 0 : i32
        %dma_wait3A_102 = arith.constant 0 : i32
        %dma_wait3A_103 = tpu.memref_slice %arg9[%dma_wait3A_90, %dma_wait3A_101, %dma_wait3A_102] : memref<2x128x128xf32, #tpu.memory_space<vmem>> -> memref<1x128x128xf32, #tpu.memory_space<vmem>>
        %dma_wait3A_104 = tpu.memref_squeeze %dma_wait3A_103 : memref<1x128x128xf32, #tpu.memory_space<vmem>> -> memref<128x128xf32, #tpu.memory_space<vmem>>
        tpu.wait_dma2 semaphore(%arg12 : memref<!tpu.dma_semaphore, #tpu.memory_space<semaphore_mem>>) src(%dma_wait3A_104 : memref<128x128xf32, #tpu.memory_space<vmem>>) dst(%dma_wait3A_100 : memref<128x128xf32, #tpu.memory_space<vmem_shared>>)
      } else {
      }
      %dma_start3A = arith.constant 0 : i32
      %dma_start3A_56 = arith.constant 0 : i32
      %dma_start3A_57 = tpu.memref_slice %arg9[%rem3A_49, %dma_start3A, %dma_start3A_56] : memref<2x128x128xf32, #tpu.memory_space<vmem>> -> memref<1x128x128xf32, #tpu.memory_space<vmem>>
      %dma_start3A_58 = tpu.memref_squeeze %dma_start3A_57 : memref<1x128x128xf32, #tpu.memory_space<vmem>> -> memref<128x128xf32, #tpu.memory_space<vmem>>
      %dma_start3A_59 = arith.constant 0 : i32
      %dma_start3A_60 = tpu.memref_slice %arg7[%rem3A_45, %rem3A_47, %dma_start3A_59] : memref<2x16x128xi32, #tpu.memory_space<vmem>> -> memref<1x1x128xi32, #tpu.memory_space<vmem>>
      %dma_start3A_61 = tpu.memref_squeeze %dma_start3A_60 : memref<1x1x128xi32, #tpu.memory_space<vmem>> -> memref<128xi32, #tpu.memory_space<vmem>>
      %dma_start3A_62 = arith.constant 0 : i32
      %dma_start3A_63 = arith.constant 0 : i32
      %dma_start3A_64 = tpu.memref_slice %arg2[%dma_start3A_62, %dma_start3A_63] : memref<10000x128xf32, #tpu.memory_space<hbm>> -> memref<10000x128xf32, #tpu.memory_space<hbm>>
      tpu.enqueue_indirect_dma source(%dma_start3A_64 : memref<10000x128xf32, #tpu.memory_space<hbm>>) target(%dma_start3A_58 : memref<128x128xf32, #tpu.memory_space<vmem>>) offsets(%dma_start3A_61 : memref<128xi32, #tpu.memory_space<vmem>>) semaphore(%arg11 : memref<!tpu.dma_semaphore, #tpu.memory_space<semaphore_mem>>)
      %dma_wait3A_65 = arith.constant 0 : i32
      %dma_wait3A_66 = arith.constant 0 : i32
      %dma_wait3A_67 = arith.constant 0 : i32
      %dma_wait3A_68 = tpu.memref_slice %arg9[%dma_wait3A_65, %dma_wait3A_66, %dma_wait3A_67] : memref<2x128x128xf32, #tpu.memory_space<vmem>> -> memref<1x128x128xf32, #tpu.memory_space<vmem>>
      %dma_wait3A_69 = tpu.memref_squeeze %dma_wait3A_68 : memref<1x128x128xf32, #tpu.memory_space<vmem>> -> memref<128x128xf32, #tpu.memory_space<vmem>>
      %dma_wait3A_70 = arith.constant 0 : i32
      %dma_wait3A_71 = arith.constant 0 : i32
      %dma_wait3A_72 = tpu.memref_slice %arg2[%dma_wait3A_70, %dma_wait3A_71] : memref<10000x128xf32, #tpu.memory_space<hbm>> -> memref<128x128xf32, #tpu.memory_space<hbm>>
      %dma_wait3A_73 = arith.constant 0 : i32
      %dma_wait3A_74 = arith.constant 0 : i32
      %dma_wait3A_75 = tpu.memref_slice %arg9[%dma_wait3A_65, %dma_wait3A_73, %dma_wait3A_74] : memref<2x128x128xf32, #tpu.memory_space<vmem>> -> memref<1x128x128xf32, #tpu.memory_space<vmem>>
      %dma_wait3A_76 = tpu.memref_squeeze %dma_wait3A_75 : memref<1x128x128xf32, #tpu.memory_space<vmem>> -> memref<128x128xf32, #tpu.memory_space<vmem>>
      %dma_wait3A_77 = arith.constant 0 : i32
      %dma_wait3A_78 = arith.constant 0 : i32
      %dma_wait3A_79 = tpu.memref_slice %arg2[%dma_wait3A_77, %dma_wait3A_78] : memref<10000x128xf32, #tpu.memory_space<hbm>> -> memref<128x128xf32, #tpu.memory_space<hbm>>
      tpu.wait_dma2 semaphore(%arg11 : memref<!tpu.dma_semaphore, #tpu.memory_space<semaphore_mem>>) src(%dma_wait3A_79 : memref<128x128xf32, #tpu.memory_space<hbm>>) dst(%dma_wait3A_76 : memref<128x128xf32, #tpu.memory_space<vmem>>)
      %dma_start3A_80 = arith.constant 0 : i32
      %dma_start3A_81 = arith.constant 0 : i32
      %dma_start3A_82 = tpu.memref_slice %arg9[%rem3A_49, %dma_start3A_80, %dma_start3A_81] : memref<2x128x128xf32, #tpu.memory_space<vmem>> -> memref<1x128x128xf32, #tpu.memory_space<vmem>>
      %dma_start3A_83 = tpu.memref_squeeze %dma_start3A_82 : memref<1x128x128xf32, #tpu.memory_space<vmem>> -> memref<128x128xf32, #tpu.memory_space<vmem>>
      %dma_start3A_84 = arith.constant 0 : i32
      %dma_start3A_85 = tpu.memref_slice %arg8[%rem3A_45, %rem3A_47, %dma_start3A_84] : memref<2x16x128xi32, #tpu.memory_space<vmem>> -> memref<1x1x128xi32, #tpu.memory_space<vmem>>
      %dma_start3A_86 = tpu.memref_squeeze %dma_start3A_85 : memref<1x1x128xi32, #tpu.memory_space<vmem>> -> memref<128xi32, #tpu.memory_space<vmem>>
      %dma_start3A_87 = arith.constant 0 : i32
      %dma_start3A_88 = arith.constant 0 : i32
      %dma_start3A_89 = tpu.memref_slice %arg10[%dma_start3A_87, %dma_start3A_88] : memref<10112x128xf32, #tpu.memory_space<vmem_shared>> -> memref<10112x128xf32, #tpu.memory_space<vmem_shared>>
      tpu.enqueue_indirect_dma source(%dma_start3A_83 : memref<128x128xf32, #tpu.memory_space<vmem>>) target(%dma_start3A_89 : memref<10112x128xf32, #tpu.memory_space<vmem_shared>>) offsets(%dma_start3A_86 : memref<128xi32, #tpu.memory_space<vmem>>) semaphore(%arg12 : memref<!tpu.dma_semaphore, #tpu.memory_space<semaphore_mem>>) {add = true}
    }
    %scan3A_8 = arith.constant 80 : i32
    %dma_wait3A = arith.constant 0 : i32
    %dma_wait3A_9 = arith.constant 0 : i32
    %dma_wait3A_10 = arith.constant 0 : i32
    %dma_wait3A_11 = tpu.memref_slice %arg9[%dma_wait3A, %dma_wait3A_9, %dma_wait3A_10] : memref<2x128x128xf32, #tpu.memory_space<vmem>> -> memref<1x128x128xf32, #tpu.memory_space<vmem>>
    %dma_wait3A_12 = tpu.memref_squeeze %dma_wait3A_11 : memref<1x128x128xf32, #tpu.memory_space<vmem>> -> memref<128x128xf32, #tpu.memory_space<vmem>>
    %dma_wait3A_13 = arith.constant 0 : i32
    %dma_wait3A_14 = arith.constant 0 : i32
    %dma_wait3A_15 = tpu.memref_slice %arg10[%dma_wait3A_13, %dma_wait3A_14] : memref<10112x128xf32, #tpu.memory_space<vmem_shared>> -> memref<128x128xf32, #tpu.memory_space<vmem_shared>>
    %dma_wait3A_16 = arith.constant 0 : i32
    %dma_wait3A_17 = arith.constant 0 : i32
    %dma_wait3A_18 = tpu.memref_slice %arg10[%dma_wait3A_16, %dma_wait3A_17] : memref<10112x128xf32, #tpu.memory_space<vmem_shared>> -> memref<128x128xf32, #tpu.memory_space<vmem_shared>>
    %dma_wait3A_19 = arith.constant 0 : i32
    %dma_wait3A_20 = arith.constant 0 : i32
    %dma_wait3A_21 = tpu.memref_slice %arg9[%dma_wait3A, %dma_wait3A_19, %dma_wait3A_20] : memref<2x128x128xf32, #tpu.memory_space<vmem>> -> memref<1x128x128xf32, #tpu.memory_space<vmem>>
    %dma_wait3A_22 = tpu.memref_squeeze %dma_wait3A_21 : memref<1x128x128xf32, #tpu.memory_space<vmem>> -> memref<128x128xf32, #tpu.memory_space<vmem>>
    tpu.wait_dma2 semaphore(%arg12 : memref<!tpu.dma_semaphore, #tpu.memory_space<semaphore_mem>>) src(%dma_wait3A_22 : memref<128x128xf32, #tpu.memory_space<vmem>>) dst(%dma_wait3A_18 : memref<128x128xf32, #tpu.memory_space<vmem_shared>>)
    %dma_wait3A_23 = arith.constant 0 : i32
    %dma_wait3A_24 = arith.constant 0 : i32
    %dma_wait3A_25 = arith.constant 0 : i32
    %dma_wait3A_26 = tpu.memref_slice %arg9[%dma_wait3A_23, %dma_wait3A_24, %dma_wait3A_25] : memref<2x128x128xf32, #tpu.memory_space<vmem>> -> memref<1x128x128xf32, #tpu.memory_space<vmem>>
    %dma_wait3A_27 = tpu.memref_squeeze %dma_wait3A_26 : memref<1x128x128xf32, #tpu.memory_space<vmem>> -> memref<128x128xf32, #tpu.memory_space<vmem>>
    %dma_wait3A_28 = arith.constant 0 : i32
    %dma_wait3A_29 = arith.constant 0 : i32
    %dma_wait3A_30 = tpu.memref_slice %arg10[%dma_wait3A_28, %dma_wait3A_29] : memref<10112x128xf32, #tpu.memory_space<vmem_shared>> -> memref<128x128xf32, #tpu.memory_space<vmem_shared>>
    %dma_wait3A_31 = arith.constant 0 : i32
    %dma_wait3A_32 = arith.constant 0 : i32
    %dma_wait3A_33 = tpu.memref_slice %arg10[%dma_wait3A_31, %dma_wait3A_32] : memref<10112x128xf32, #tpu.memory_space<vmem_shared>> -> memref<128x128xf32, #tpu.memory_space<vmem_shared>>
    %dma_wait3A_34 = arith.constant 0 : i32
    %dma_wait3A_35 = arith.constant 0 : i32
    %dma_wait3A_36 = tpu.memref_slice %arg9[%dma_wait3A_23, %dma_wait3A_34, %dma_wait3A_35] : memref<2x128x128xf32, #tpu.memory_space<vmem>> -> memref<1x128x128xf32, #tpu.memory_space<vmem>>
    %dma_wait3A_37 = tpu.memref_squeeze %dma_wait3A_36 : memref<1x128x128xf32, #tpu.memory_space<vmem>> -> memref<128x128xf32, #tpu.memory_space<vmem>>
    tpu.wait_dma2 semaphore(%arg12 : memref<!tpu.dma_semaphore, #tpu.memory_space<semaphore_mem>>) src(%dma_wait3A_37 : memref<128x128xf32, #tpu.memory_space<vmem>>) dst(%dma_wait3A_33 : memref<128x128xf32, #tpu.memory_space<vmem_shared>>)
    %barrier3A_38 = arith.constant 0 : index
    tpu.barrier barrier_id(%barrier3A_38)
    %mul3A_39 = arith.constant 632 : i32
    %mul3A_40 = arith.muli %arg1, %mul3A_39 : i32
    %mul3A_41 = arith.constant 632 : i32
    %mul3A_42 = arith.muli %arg1, %mul3A_41 : i32
    "tpu.region"() ({
      %run_scoped3A = tpu.sem_alloc : memref<!tpu.dma_semaphore, #tpu.memory_space<semaphore_mem>>
      %dma_start3A = arith.constant 0 : i32
      %dma_start3A_43 = tpu.memref_slice %arg6[%arg0, %mul3A_42, %dma_start3A] : memref<2x10112x128xf32, #tpu.memory_space<hbm>> -> memref<1x632x128xf32, #tpu.memory_space<hbm>>
      %dma_start3A_44 = tpu.memref_squeeze %dma_start3A_43 : memref<1x632x128xf32, #tpu.memory_space<hbm>> -> memref<632x128xf32, #tpu.memory_space<hbm>>
      %dma_start3A_45 = arith.constant 0 : i32
      %dma_start3A_46 = tpu.memref_slice %arg10[%mul3A_40, %dma_start3A_45] : memref<10112x128xf32, #tpu.memory_space<vmem_shared>> -> memref<632x128xf32, #tpu.memory_space<vmem_shared>>
      tpu.enqueue_dma source(%dma_start3A_46 : memref<632x128xf32, #tpu.memory_space<vmem_shared>>) target(%dma_start3A_44 : memref<632x128xf32, #tpu.memory_space<hbm>>) target_semaphore(%run_scoped3A : memref<!tpu.dma_semaphore, #tpu.memory_space<semaphore_mem>>)
      %dma_wait3A_47 = arith.constant 0 : i32
      %dma_wait3A_48 = tpu.memref_slice %arg6[%arg0, %mul3A_42, %dma_wait3A_47] : memref<2x10112x128xf32, #tpu.memory_space<hbm>> -> memref<1x632x128xf32, #tpu.memory_space<hbm>>
      %dma_wait3A_49 = tpu.memref_squeeze %dma_wait3A_48 : memref<1x632x128xf32, #tpu.memory_space<hbm>> -> memref<632x128xf32, #tpu.memory_space<hbm>>
      %dma_wait3A_50 = arith.constant 0 : i32
      %dma_wait3A_51 = tpu.memref_slice %arg10[%mul3A_40, %dma_wait3A_50] : memref<10112x128xf32, #tpu.memory_space<vmem_shared>> -> memref<632x128xf32, #tpu.memory_space<vmem_shared>>
      tpu.wait_dma2 semaphore(%run_scoped3A : memref<!tpu.dma_semaphore, #tpu.memory_space<semaphore_mem>>) src(%dma_wait3A_51 : memref<632x128xf32, #tpu.memory_space<vmem_shared>>) dst(%dma_wait3A_49 : memref<632x128xf32, #tpu.memory_space<hbm>>)
      tpu.yield
    }) : () -> ()
    return
  }
}

#map = affine_map<(d0, d1) -> (0, 0)>
#map1 = affine_map<(d0, d1) -> (0, 0, 0)>
module attributes {stable_mosaic.version = 14 : i64} {
  func.func @_spmm_kernel(%arg0: i32, %arg1: i32, %arg2: memref<10000x128xf32, #tpu.memory_space<hbm>>, %arg3: memref<2560x128xi32, #tpu.memory_space<hbm>>, %arg4: memref<2560x128xi32, #tpu.memory_space<hbm>>, %arg5: memref<632x128xf32, #tpu.memory_space<hbm>>, %arg6: memref<2x10112x128xf32, #tpu.memory_space<hbm>>, %arg7: memref<2x16x128xi32, #tpu.memory_space<vmem>>, %arg8: memref<2x16x128xi32, #tpu.memory_space<vmem>>, %arg9: memref<2x128x128xf32, #tpu.memory_space<vmem>>, %arg10: memref<10112x128xf32, #tpu.memory_space<vmem_shared>>, %arg11: memref<!tpu.dma_semaphore, #tpu.memory_space<semaphore_mem>>, %arg12: memref<!tpu.dma_semaphore, #tpu.memory_space<semaphore_mem>>) attributes {dimension_semantics = [#tpu.dimension_semantics<core_parallel>, #tpu.dimension_semantics<subcore_parallel>], iteration_bounds = array<i64: 2, 16>, scalar_prefetch = 0 : i64, scratch_operands = 6 : i64, tpu.core_type = #tpu.core_type<sc_vector_subcore>, window_params = [{transform_indices = #map}, {transform_indices = #map}, {transform_indices = #map}, {transform_indices = #map}, {transform_indices = #map1}]} {
    %mul3A = arith.constant 16 : i32
    %mul3A_0 = arith.muli %arg0, %mul3A : i32
    %add3A = arith.addi %mul3A_0, %arg1 : i32
    %mul3A_1 = arith.constant 80 : i32
    %mul3A_2 = arith.muli %add3A, %mul3A_1 : i32
    %mul3A_3 = arith.constant 632 : i32
    %mul3A_4 = arith.muli %arg1, %mul3A_3 : i32
    "tpu.region"() ({
      %run_scoped3A = tpu.sem_alloc : memref<!tpu.dma_semaphore, #tpu.memory_space<semaphore_mem>>
      %dma_start3A = arith.constant 0 : i32
      %dma_start3A_43 = tpu.memref_slice %arg10[%mul3A_4, %dma_start3A] : memref<10112x128xf32, #tpu.memory_space<vmem_shared>> -> memref<632x128xf32, #tpu.memory_space<vmem_shared>>
      tpu.enqueue_dma source(%arg5 : memref<632x128xf32, #tpu.memory_space<hbm>>) target(%dma_start3A_43 : memref<632x128xf32, #tpu.memory_space<vmem_shared>>) target_semaphore(%run_scoped3A : memref<!tpu.dma_semaphore, #tpu.memory_space<semaphore_mem>>)
      %dma_wait3A_44 = arith.constant 0 : i32
      %dma_wait3A_45 = tpu.memref_slice %arg10[%mul3A_4, %dma_wait3A_44] : memref<10112x128xf32, #tpu.memory_space<vmem_shared>> -> memref<632x128xf32, #tpu.memory_space<vmem_shared>>
      tpu.wait_dma2 semaphore(%run_scoped3A : memref<!tpu.dma_semaphore, #tpu.memory_space<semaphore_mem>>) src(%arg5 : memref<632x128xf32, #tpu.memory_space<hbm>>) dst(%dma_wait3A_45 : memref<632x128xf32, #tpu.memory_space<vmem_shared>>)
      tpu.yield
    }) : () -> ()
    %barrier3A = arith.constant 0 : index
    tpu.barrier barrier_id(%barrier3A)
    %scan3A = arith.constant 0 : i32
    %scan3A_5 = arith.constant 80 : i32
    %scan3A_6 = arith.addi %scan3A, %scan3A_5 : i32
    %scan3A_7 = arith.constant 1 : i32
    scf.for %scan3A_43 = %scan3A to %scan3A_6 step %scan3A_7  : i32 {
      %div3A = arith.constant 16 : i32
      %div3A_44 = arith.divsi %scan3A_43, %div3A : i32
      %rem3A = arith.constant 2 : i32
      %rem3A_45 = arith.remsi %div3A_44, %rem3A : i32
      %rem3A_46 = arith.constant 16 : i32
      %rem3A_47 = arith.remsi %scan3A_43, %rem3A_46 : i32
      %rem3A_48 = arith.constant 2 : i32
      %rem3A_49 = arith.remsi %scan3A_43, %rem3A_48 : i32
      %eq3A = arith.constant 0 : i32
      %eq3A_50 = arith.cmpi eq, %rem3A_47, %eq3A : i32
      %convert_element_type3A = arith.extui %eq3A_50 : i1 to i32
      %cond3A = arith.constant 0 : i32
      %cond3A_51 = arith.cmpi ne, %convert_element_type3A, %cond3A : i32
      scf.if %cond3A_51 {
        %mul3A_90 = arith.constant 16 : i32
        %mul3A_91 = arith.muli %div3A_44, %mul3A_90 : i32
        %add3A_92 = arith.addi %mul3A_2, %mul3A_91 : i32
        "tpu.region"() ({
          %run_scoped3A = tpu.sem_alloc : memref<!tpu.dma_semaphore, #tpu.memory_space<semaphore_mem>>
          %dma_start3A_96 = arith.constant 0 : i32
          %dma_start3A_97 = arith.constant 0 : i32
          %dma_start3A_98 = tpu.memref_slice %arg7[%rem3A_45, %dma_start3A_96, %dma_start3A_97] : memref<2x16x128xi32, #tpu.memory_space<vmem>> -> memref<1x16x128xi32, #tpu.memory_space<vmem>>
          %dma_start3A_99 = tpu.memref_squeeze %dma_start3A_98 : memref<1x16x128xi32, #tpu.memory_space<vmem>> -> memref<16x128xi32, #tpu.memory_space<vmem>>
          %dma_start3A_100 = arith.constant 0 : i32
          %dma_start3A_101 = tpu.memref_slice %arg3[%add3A_92, %dma_start3A_100] : memref<2560x128xi32, #tpu.memory_space<hbm>> -> memref<16x128xi32, #tpu.memory_space<hbm>>
          %dma_start3A_102 = arith.constant 0 : i32
          %dma_start3A_103 = arith.constant 0 : i32
          %dma_start3A_104 = tpu.memref_slice %arg7[%rem3A_45, %dma_start3A_102, %dma_start3A_103] : memref<2x16x128xi32, #tpu.memory_space<vmem>> -> memref<1x16x128xi32, #tpu.memory_space<vmem>>
          %dma_start3A_105 = tpu.memref_squeeze %dma_start3A_104 : memref<1x16x128xi32, #tpu.memory_space<vmem>> -> memref<16x128xi32, #tpu.memory_space<vmem>>
          %dma_start3A_106 = arith.constant 0 : i32
          %dma_start3A_107 = tpu.memref_slice %arg3[%add3A_92, %dma_start3A_106] : memref<2560x128xi32, #tpu.memory_space<hbm>> -> memref<16x128xi32, #tpu.memory_space<hbm>>
          tpu.enqueue_dma source(%dma_start3A_107 : memref<16x128xi32, #tpu.memory_space<hbm>>) target(%dma_start3A_105 : memref<16x128xi32, #tpu.memory_space<vmem>>) target_semaphore(%run_scoped3A : memref<!tpu.dma_semaphore, #tpu.memory_space<semaphore_mem>>)
          %dma_wait3A_108 = arith.constant 0 : i32
          %dma_wait3A_109 = arith.constant 0 : i32
          %dma_wait3A_110 = tpu.memref_slice %arg7[%rem3A_45, %dma_wait3A_108, %dma_wait3A_109] : memref<2x16x128xi32, #tpu.memory_space<vmem>> -> memref<1x16x128xi32, #tpu.memory_space<vmem>>
          %dma_wait3A_111 = tpu.memref_squeeze %dma_wait3A_110 : memref<1x16x128xi32, #tpu.memory_space<vmem>> -> memref<16x128xi32, #tpu.memory_space<vmem>>
          %dma_wait3A_112 = arith.constant 0 : i32
          %dma_wait3A_113 = tpu.memref_slice %arg3[%add3A_92, %dma_wait3A_112] : memref<2560x128xi32, #tpu.memory_space<hbm>> -> memref<16x128xi32, #tpu.memory_space<hbm>>
          %dma_wait3A_114 = arith.constant 0 : i32
          %dma_wait3A_115 = arith.constant 0 : i32
          %dma_wait3A_116 = tpu.memref_slice %arg7[%rem3A_45, %dma_wait3A_114, %dma_wait3A_115] : memref<2x16x128xi32, #tpu.memory_space<vmem>> -> memref<1x16x128xi32, #tpu.memory_space<vmem>>
          %dma_wait3A_117 = tpu.memref_squeeze %dma_wait3A_116 : memref<1x16x128xi32, #tpu.memory_space<vmem>> -> memref<16x128xi32, #tpu.memory_space<vmem>>
          %dma_wait3A_118 = arith.constant 0 : i32
          %dma_wait3A_119 = tpu.memref_slice %arg3[%add3A_92, %dma_wait3A_118] : memref<2560x128xi32, #tpu.memory_space<hbm>> -> memref<16x128xi32, #tpu.memory_space<hbm>>
          tpu.wait_dma2 semaphore(%run_scoped3A : memref<!tpu.dma_semaphore, #tpu.memory_space<semaphore_mem>>) src(%dma_wait3A_119 : memref<16x128xi32, #tpu.memory_space<hbm>>) dst(%dma_wait3A_117 : memref<16x128xi32, #tpu.memory_space<vmem>>)
          tpu.yield
        }) : () -> ()
        %mul3A_93 = arith.constant 16 : i32
        %mul3A_94 = arith.muli %div3A_44, %mul3A_93 : i32
        %add3A_95 = arith.addi %mul3A_2, %mul3A_94 : i32
        "tpu.region"() ({
          %run_scoped3A = tpu.sem_alloc : memref<!tpu.dma_semaphore, #tpu.memory_space<semaphore_mem>>
          %dma_start3A_96 = arith.constant 0 : i32
          %dma_start3A_97 = arith.constant 0 : i32
          %dma_start3A_98 = tpu.memref_slice %arg8[%rem3A_45, %dma_start3A_96, %dma_start3A_97] : memref<2x16x128xi32, #tpu.memory_space<vmem>> -> memref<1x16x128xi32, #tpu.memory_space<vmem>>
          %dma_start3A_99 = tpu.memref_squeeze %dma_start3A_98 : memref<1x16x128xi32, #tpu.memory_space<vmem>> -> memref<16x128xi32, #tpu.memory_space<vmem>>
          %dma_start3A_100 = arith.constant 0 : i32
          %dma_start3A_101 = tpu.memref_slice %arg4[%add3A_95, %dma_start3A_100] : memref<2560x128xi32, #tpu.memory_space<hbm>> -> memref<16x128xi32, #tpu.memory_space<hbm>>
          %dma_start3A_102 = arith.constant 0 : i32
          %dma_start3A_103 = arith.constant 0 : i32
          %dma_start3A_104 = tpu.memref_slice %arg8[%rem3A_45, %dma_start3A_102, %dma_start3A_103] : memref<2x16x128xi32, #tpu.memory_space<vmem>> -> memref<1x16x128xi32, #tpu.memory_space<vmem>>
          %dma_start3A_105 = tpu.memref_squeeze %dma_start3A_104 : memref<1x16x128xi32, #tpu.memory_space<vmem>> -> memref<16x128xi32, #tpu.memory_space<vmem>>
          %dma_start3A_106 = arith.constant 0 : i32
          %dma_start3A_107 = tpu.memref_slice %arg4[%add3A_95, %dma_start3A_106] : memref<2560x128xi32, #tpu.memory_space<hbm>> -> memref<16x128xi32, #tpu.memory_space<hbm>>
          tpu.enqueue_dma source(%dma_start3A_107 : memref<16x128xi32, #tpu.memory_space<hbm>>) target(%dma_start3A_105 : memref<16x128xi32, #tpu.memory_space<vmem>>) target_semaphore(%run_scoped3A : memref<!tpu.dma_semaphore, #tpu.memory_space<semaphore_mem>>)
          %dma_wait3A_108 = arith.constant 0 : i32
          %dma_wait3A_109 = arith.constant 0 : i32
          %dma_wait3A_110 = tpu.memref_slice %arg8[%rem3A_45, %dma_wait3A_108, %dma_wait3A_109] : memref<2x16x128xi32, #tpu.memory_space<vmem>> -> memref<1x16x128xi32, #tpu.memory_space<vmem>>
          %dma_wait3A_111 = tpu.memref_squeeze %dma_wait3A_110 : memref<1x16x128xi32, #tpu.memory_space<vmem>> -> memref<16x128xi32, #tpu.memory_space<vmem>>
          %dma_wait3A_112 = arith.constant 0 : i32
          %dma_wait3A_113 = tpu.memref_slice %arg4[%add3A_95, %dma_wait3A_112] : memref<2560x128xi32, #tpu.memory_space<hbm>> -> memref<16x128xi32, #tpu.memory_space<hbm>>
          %dma_wait3A_114 = arith.constant 0 : i32
          %dma_wait3A_115 = arith.constant 0 : i32
          %dma_wait3A_116 = tpu.memref_slice %arg8[%rem3A_45, %dma_wait3A_114, %dma_wait3A_115] : memref<2x16x128xi32, #tpu.memory_space<vmem>> -> memref<1x16x128xi32, #tpu.memory_space<vmem>>
          %dma_wait3A_117 = tpu.memref_squeeze %dma_wait3A_116 : memref<1x16x128xi32, #tpu.memory_space<vmem>> -> memref<16x128xi32, #tpu.memory_space<vmem>>
          %dma_wait3A_118 = arith.constant 0 : i32
          %dma_wait3A_119 = tpu.memref_slice %arg4[%add3A_95, %dma_wait3A_118] : memref<2560x128xi32, #tpu.memory_space<hbm>> -> memref<16x128xi32, #tpu.memory_space<hbm>>
          tpu.wait_dma2 semaphore(%run_scoped3A : memref<!tpu.dma_semaphore, #tpu.memory_space<semaphore_mem>>) src(%dma_wait3A_119 : memref<16x128xi32, #tpu.memory_space<hbm>>) dst(%dma_wait3A_117 : memref<16x128xi32, #tpu.memory_space<vmem>>)
          tpu.yield
        }) : () -> ()
      } else {
      }
      %ge3A = arith.constant 2 : i32
      %ge3A_52 = arith.cmpi sge, %scan3A_43, %ge3A : i32
      %convert_element_type3A_53 = arith.extui %ge3A_52 : i1 to i32
      %cond3A_54 = arith.constant 0 : i32
      %cond3A_55 = arith.cmpi ne, %convert_element_type3A_53, %cond3A_54 : i32
      scf.if %cond3A_55 {
        %dma_wait3A_90 = arith.constant 0 : i32
        %dma_wait3A_91 = arith.constant 0 : i32
        %dma_wait3A_92 = arith.constant 0 : i32
        %dma_wait3A_93 = tpu.memref_slice %arg9[%dma_wait3A_90, %dma_wait3A_91, %dma_wait3A_92] : memref<2x128x128xf32, #tpu.memory_space<vmem>> -> memref<1x128x128xf32, #tpu.memory_space<vmem>>
        %dma_wait3A_94 = tpu.memref_squeeze %dma_wait3A_93 : memref<1x128x128xf32, #tpu.memory_space<vmem>> -> memref<128x128xf32, #tpu.memory_space<vmem>>
        %dma_wait3A_95 = arith.constant 0 : i32
        %dma_wait3A_96 = arith.constant 0 : i32
        %dma_wait3A_97 = tpu.memref_slice %arg10[%dma_wait3A_95, %dma_wait3A_96] : memref<10112x128xf32, #tpu.memory_space<vmem_shared>> -> memref<128x128xf32, #tpu.memory_space<vmem_shared>>
        %dma_wait3A_98 = arith.constant 0 : i32
        %dma_wait3A_99 = arith.constant 0 : i32
        %dma_wait3A_100 = tpu.memref_slice %arg10[%dma_wait3A_98, %dma_wait3A_99] : memref<10112x128xf32, #tpu.memory_space<vmem_shared>> -> memref<128x128xf32, #tpu.memory_space<vmem_shared>>
        %dma_wait3A_101 = arith.constant 0 : i32
        %dma_wait3A_102 = arith.constant 0 : i32
        %dma_wait3A_103 = tpu.memref_slice %arg9[%dma_wait3A_90, %dma_wait3A_101, %dma_wait3A_102] : memref<2x128x128xf32, #tpu.memory_space<vmem>> -> memref<1x128x128xf32, #tpu.memory_space<vmem>>
        %dma_wait3A_104 = tpu.memref_squeeze %dma_wait3A_103 : memref<1x128x128xf32, #tpu.memory_space<vmem>> -> memref<128x128xf32, #tpu.memory_space<vmem>>
        tpu.wait_dma2 semaphore(%arg12 : memref<!tpu.dma_semaphore, #tpu.memory_space<semaphore_mem>>) src(%dma_wait3A_104 : memref<128x128xf32, #tpu.memory_space<vmem>>) dst(%dma_wait3A_100 : memref<128x128xf32, #tpu.memory_space<vmem_shared>>)
      } else {
      }
      %dma_start3A = arith.constant 0 : i32
      %dma_start3A_56 = arith.constant 0 : i32
      %dma_start3A_57 = tpu.memref_slice %arg9[%rem3A_49, %dma_start3A, %dma_start3A_56] : memref<2x128x128xf32, #tpu.memory_space<vmem>> -> memref<1x128x128xf32, #tpu.memory_space<vmem>>
      %dma_start3A_58 = tpu.memref_squeeze %dma_start3A_57 : memref<1x128x128xf32, #tpu.memory_space<vmem>> -> memref<128x128xf32, #tpu.memory_space<vmem>>
      %dma_start3A_59 = arith.constant 0 : i32
      %dma_start3A_60 = tpu.memref_slice %arg7[%rem3A_45, %rem3A_47, %dma_start3A_59] : memref<2x16x128xi32, #tpu.memory_space<vmem>> -> memref<1x1x128xi32, #tpu.memory_space<vmem>>
      %dma_start3A_61 = tpu.memref_squeeze %dma_start3A_60 : memref<1x1x128xi32, #tpu.memory_space<vmem>> -> memref<128xi32, #tpu.memory_space<vmem>>
      %dma_start3A_62 = arith.constant 0 : i32
      %dma_start3A_63 = arith.constant 0 : i32
      %dma_start3A_64 = tpu.memref_slice %arg2[%dma_start3A_62, %dma_start3A_63] : memref<10000x128xf32, #tpu.memory_space<hbm>> -> memref<10000x128xf32, #tpu.memory_space<hbm>>
      tpu.enqueue_indirect_dma source(%dma_start3A_64 : memref<10000x128xf32, #tpu.memory_space<hbm>>) target(%dma_start3A_58 : memref<128x128xf32, #tpu.memory_space<vmem>>) offsets(%dma_start3A_61 : memref<128xi32, #tpu.memory_space<vmem>>) semaphore(%arg11 : memref<!tpu.dma_semaphore, #tpu.memory_space<semaphore_mem>>)
      %dma_wait3A_65 = arith.constant 0 : i32
      %dma_wait3A_66 = arith.constant 0 : i32
      %dma_wait3A_67 = arith.constant 0 : i32
      %dma_wait3A_68 = tpu.memref_slice %arg9[%dma_wait3A_65, %dma_wait3A_66, %dma_wait3A_67] : memref<2x128x128xf32, #tpu.memory_space<vmem>> -> memref<1x128x128xf32, #tpu.memory_space<vmem>>
      %dma_wait3A_69 = tpu.memref_squeeze %dma_wait3A_68 : memref<1x128x128xf32, #tpu.memory_space<vmem>> -> memref<128x128xf32, #tpu.memory_space<vmem>>
      %dma_wait3A_70 = arith.constant 0 : i32
      %dma_wait3A_71 = arith.constant 0 : i32
      %dma_wait3A_72 = tpu.memref_slice %arg2[%dma_wait3A_70, %dma_wait3A_71] : memref<10000x128xf32, #tpu.memory_space<hbm>> -> memref<128x128xf32, #tpu.memory_space<hbm>>
      %dma_wait3A_73 = arith.constant 0 : i32
      %dma_wait3A_74 = arith.constant 0 : i32
      %dma_wait3A_75 = tpu.memref_slice %arg9[%dma_wait3A_65, %dma_wait3A_73, %dma_wait3A_74] : memref<2x128x128xf32, #tpu.memory_space<vmem>> -> memref<1x128x128xf32, #tpu.memory_space<vmem>>
      %dma_wait3A_76 = tpu.memref_squeeze %dma_wait3A_75 : memref<1x128x128xf32, #tpu.memory_space<vmem>> -> memref<128x128xf32, #tpu.memory_space<vmem>>
      %dma_wait3A_77 = arith.constant 0 : i32
      %dma_wait3A_78 = arith.constant 0 : i32
      %dma_wait3A_79 = tpu.memref_slice %arg2[%dma_wait3A_77, %dma_wait3A_78] : memref<10000x128xf32, #tpu.memory_space<hbm>> -> memref<128x128xf32, #tpu.memory_space<hbm>>
      tpu.wait_dma2 semaphore(%arg11 : memref<!tpu.dma_semaphore, #tpu.memory_space<semaphore_mem>>) src(%dma_wait3A_79 : memref<128x128xf32, #tpu.memory_space<hbm>>) dst(%dma_wait3A_76 : memref<128x128xf32, #tpu.memory_space<vmem>>)
      %dma_start3A_80 = arith.constant 0 : i32
      %dma_start3A_81 = arith.constant 0 : i32
      %dma_start3A_82 = tpu.memref_slice %arg9[%rem3A_49, %dma_start3A_80, %dma_start3A_81] : memref<2x128x128xf32, #tpu.memory_space<vmem>> -> memref<1x128x128xf32, #tpu.memory_space<vmem>>
      %dma_start3A_83 = tpu.memref_squeeze %dma_start3A_82 : memref<1x128x128xf32, #tpu.memory_space<vmem>> -> memref<128x128xf32, #tpu.memory_space<vmem>>
      %dma_start3A_84 = arith.constant 0 : i32
      %dma_start3A_85 = tpu.memref_slice %arg8[%rem3A_45, %rem3A_47, %dma_start3A_84] : memref<2x16x128xi32, #tpu.memory_space<vmem>> -> memref<1x1x128xi32, #tpu.memory_space<vmem>>
      %dma_start3A_86 = tpu.memref_squeeze %dma_start3A_85 : memref<1x1x128xi32, #tpu.memory_space<vmem>> -> memref<128xi32, #tpu.memory_space<vmem>>
      %dma_start3A_87 = arith.constant 0 : i32
      %dma_start3A_88 = arith.constant 0 : i32
      %dma_start3A_89 = tpu.memref_slice %arg10[%dma_start3A_87, %dma_start3A_88] : memref<10112x128xf32, #tpu.memory_space<vmem_shared>> -> memref<10112x128xf32, #tpu.memory_space<vmem_shared>>
      tpu.enqueue_indirect_dma source(%dma_start3A_83 : memref<128x128xf32, #tpu.memory_space<vmem>>) target(%dma_start3A_89 : memref<10112x128xf32, #tpu.memory_space<vmem_shared>>) offsets(%dma_start3A_86 : memref<128xi32, #tpu.memory_space<vmem>>) semaphore(%arg12 : memref<!tpu.dma_semaphore, #tpu.memory_space<semaphore_mem>>) {add = true}
    }
    %scan3A_8 = arith.constant 80 : i32
    %dma_wait3A = arith.constant 0 : i32
    %dma_wait3A_9 = arith.constant 0 : i32
    %dma_wait3A_10 = arith.constant 0 : i32
    %dma_wait3A_11 = tpu.memref_slice %arg9[%dma_wait3A, %dma_wait3A_9, %dma_wait3A_10] : memref<2x128x128xf32, #tpu.memory_space<vmem>> -> memref<1x128x128xf32, #tpu.memory_space<vmem>>
    %dma_wait3A_12 = tpu.memref_squeeze %dma_wait3A_11 : memref<1x128x128xf32, #tpu.memory_space<vmem>> -> memref<128x128xf32, #tpu.memory_space<vmem>>
    %dma_wait3A_13 = arith.constant 0 : i32
    %dma_wait3A_14 = arith.constant 0 : i32
    %dma_wait3A_15 = tpu.memref_slice %arg10[%dma_wait3A_13, %dma_wait3A_14] : memref<10112x128xf32, #tpu.memory_space<vmem_shared>> -> memref<128x128xf32, #tpu.memory_space<vmem_shared>>
    %dma_wait3A_16 = arith.constant 0 : i32
    %dma_wait3A_17 = arith.constant 0 : i32
    %dma_wait3A_18 = tpu.memref_slice %arg10[%dma_wait3A_16, %dma_wait3A_17] : memref<10112x128xf32, #tpu.memory_space<vmem_shared>> -> memref<128x128xf32, #tpu.memory_space<vmem_shared>>
    %dma_wait3A_19 = arith.constant 0 : i32
    %dma_wait3A_20 = arith.constant 0 : i32
    %dma_wait3A_21 = tpu.memref_slice %arg9[%dma_wait3A, %dma_wait3A_19, %dma_wait3A_20] : memref<2x128x128xf32, #tpu.memory_space<vmem>> -> memref<1x128x128xf32, #tpu.memory_space<vmem>>
    %dma_wait3A_22 = tpu.memref_squeeze %dma_wait3A_21 : memref<1x128x128xf32, #tpu.memory_space<vmem>> -> memref<128x128xf32, #tpu.memory_space<vmem>>
    tpu.wait_dma2 semaphore(%arg12 : memref<!tpu.dma_semaphore, #tpu.memory_space<semaphore_mem>>) src(%dma_wait3A_22 : memref<128x128xf32, #tpu.memory_space<vmem>>) dst(%dma_wait3A_18 : memref<128x128xf32, #tpu.memory_space<vmem_shared>>)
    %dma_wait3A_23 = arith.constant 0 : i32
    %dma_wait3A_24 = arith.constant 0 : i32
    %dma_wait3A_25 = arith.constant 0 : i32
    %dma_wait3A_26 = tpu.memref_slice %arg9[%dma_wait3A_23, %dma_wait3A_24, %dma_wait3A_25] : memref<2x128x128xf32, #tpu.memory_space<vmem>> -> memref<1x128x128xf32, #tpu.memory_space<vmem>>
    %dma_wait3A_27 = tpu.memref_squeeze %dma_wait3A_26 : memref<1x128x128xf32, #tpu.memory_space<vmem>> -> memref<128x128xf32, #tpu.memory_space<vmem>>
    %dma_wait3A_28 = arith.constant 0 : i32
    %dma_wait3A_29 = arith.constant 0 : i32
    %dma_wait3A_30 = tpu.memref_slice %arg10[%dma_wait3A_28, %dma_wait3A_29] : memref<10112x128xf32, #tpu.memory_space<vmem_shared>> -> memref<128x128xf32, #tpu.memory_space<vmem_shared>>
    %dma_wait3A_31 = arith.constant 0 : i32
    %dma_wait3A_32 = arith.constant 0 : i32
    %dma_wait3A_33 = tpu.memref_slice %arg10[%dma_wait3A_31, %dma_wait3A_32] : memref<10112x128xf32, #tpu.memory_space<vmem_shared>> -> memref<128x128xf32, #tpu.memory_space<vmem_shared>>
    %dma_wait3A_34 = arith.constant 0 : i32
    %dma_wait3A_35 = arith.constant 0 : i32
    %dma_wait3A_36 = tpu.memref_slice %arg9[%dma_wait3A_23, %dma_wait3A_34, %dma_wait3A_35] : memref<2x128x128xf32, #tpu.memory_space<vmem>> -> memref<1x128x128xf32, #tpu.memory_space<vmem>>
    %dma_wait3A_37 = tpu.memref_squeeze %dma_wait3A_36 : memref<1x128x128xf32, #tpu.memory_space<vmem>> -> memref<128x128xf32, #tpu.memory_space<vmem>>
    tpu.wait_dma2 semaphore(%arg12 : memref<!tpu.dma_semaphore, #tpu.memory_space<semaphore_mem>>) src(%dma_wait3A_37 : memref<128x128xf32, #tpu.memory_space<vmem>>) dst(%dma_wait3A_33 : memref<128x128xf32, #tpu.memory_space<vmem_shared>>)
    %barrier3A_38 = arith.constant 0 : index
    tpu.barrier barrier_id(%barrier3A_38)
    %mul3A_39 = arith.constant 632 : i32
    %mul3A_40 = arith.muli %arg1, %mul3A_39 : i32
    %mul3A_41 = arith.constant 632 : i32
    %mul3A_42 = arith.muli %arg1, %mul3A_41 : i32
    "tpu.region"() ({
      %run_scoped3A = tpu.sem_alloc : memref<!tpu.dma_semaphore, #tpu.memory_space<semaphore_mem>>
      %dma_start3A = arith.constant 0 : i32
      %dma_start3A_43 = tpu.memref_slice %arg6[%arg0, %mul3A_42, %dma_start3A] : memref<2x10112x128xf32, #tpu.memory_space<hbm>> -> memref<1x632x128xf32, #tpu.memory_space<hbm>>
      %dma_start3A_44 = tpu.memref_squeeze %dma_start3A_43 : memref<1x632x128xf32, #tpu.memory_space<hbm>> -> memref<632x128xf32, #tpu.memory_space<hbm>>
      %dma_start3A_45 = arith.constant 0 : i32
      %dma_start3A_46 = tpu.memref_slice %arg10[%mul3A_40, %dma_start3A_45] : memref<10112x128xf32, #tpu.memory_space<vmem_shared>> -> memref<632x128xf32, #tpu.memory_space<vmem_shared>>
      tpu.enqueue_dma source(%dma_start3A_46 : memref<632x128xf32, #tpu.memory_space<vmem_shared>>) target(%dma_start3A_44 : memref<632x128xf32, #tpu.memory_space<hbm>>) target_semaphore(%run_scoped3A : memref<!tpu.dma_semaphore, #tpu.memory_space<semaphore_mem>>)
      %dma_wait3A_47 = arith.constant 0 : i32
      %dma_wait3A_48 = tpu.memref_slice %arg6[%arg0, %mul3A_42, %dma_wait3A_47] : memref<2x10112x128xf32, #tpu.memory_space<hbm>> -> memref<1x632x128xf32, #tpu.memory_space<hbm>>
      %dma_wait3A_49 = tpu.memref_squeeze %dma_wait3A_48 : memref<1x632x128xf32, #tpu.memory_space<hbm>> -> memref<632x128xf32, #tpu.memory_space<hbm>>
      %dma_wait3A_50 = arith.constant 0 : i32
      %dma_wait3A_51 = tpu.memref_slice %arg10[%mul3A_40, %dma_wait3A_50] : memref<10112x128xf32, #tpu.memory_space<vmem_shared>> -> memref<632x128xf32, #tpu.memory_space<vmem_shared>>
      tpu.wait_dma2 semaphore(%run_scoped3A : memref<!tpu.dma_semaphore, #tpu.memory_space<semaphore_mem>>) src(%dma_wait3A_51 : memref<632x128xf32, #tpu.memory_space<vmem_shared>>) dst(%dma_wait3A_49 : memref<632x128xf32, #tpu.memory_space<hbm>>)
      tpu.yield
    }) : () -> ()
    return
  }
}

module attributes {stable_mosaic.version = 14 : i64} {
  func.func @_prep_body(%arg0: i32, %arg1: memref<32x160x128xf32, #tpu.memory_space<vmem>>, %arg2: memref<160x128xf32, #tpu.memory_space<vmem>>) attributes {dimension_semantics = [#tpu.dimension_semantics<arbitrary>], iteration_bounds = array<i64: 1>, scalar_prefetch = 0 : i64, scratch_operands = 0 : i64, tpu.core_type = #tpu.core_type<tc>, window_params = [{pipeline_mode = #tpu.pipeline_mode<synchronous>, transform_indices = @transform_0, window_bounds = array<i64: 32, 160, 128>}, {pipeline_mode = #tpu.pipeline_mode<synchronous>, transform_indices = @transform_1, window_bounds = array<i64: 160, 128>}]} {
    %get3A = arith.constant 0 : index
    %get3A_0 = arith.constant 0 : index
    %get3A_1 = arith.constant 0 : index
    %get3A_2 = vector.load %arg1[%get3A, %get3A_0, %get3A_1] : memref<32x160x128xf32, #tpu.memory_space<vmem>>, vector<32x160x128xf32>
    %reduce_sum3A = arith.constant dense<0.000000e+00> : vector<160x128xf32>
    %reduce_sum3A_3 = vector.multi_reduction <add>, %get3A_2, %reduce_sum3A [0] : vector<32x160x128xf32> to vector<160x128xf32>
    %gt3A = arith.constant 0.000000e+00 : f32
    %gt3A_4 = vector.broadcast %gt3A : f32 to vector<160x128xf32>
    %gt3A_5 = arith.cmpf ogt, %reduce_sum3A_3, %gt3A_4 : vector<160x128xf32>
    %rsqrt3A = math.rsqrt %reduce_sum3A_3 : vector<160x128xf32>
    %jit3A = arith.constant 0.000000e+00 : f32
    %broadcast_in_dim3A = vector.broadcast %jit3A : f32 to vector<160x128xf32>
    %select_n3A = arith.select %gt3A_5, %rsqrt3A, %broadcast_in_dim3A : vector<160x128xi1>, vector<160x128xf32>
    %swap3A = arith.constant 0 : index
    %swap3A_6 = arith.constant 0 : index
    %swap3A_7 = vector.load %arg2[%swap3A, %swap3A_6] : memref<160x128xf32, #tpu.memory_space<vmem>>, vector<160x128xf32>
    tpu.vector_store %arg2[%swap3A, %swap3A_6], %select_n3A {strides = array<i32>} : memref<160x128xf32, #tpu.memory_space<vmem>>, vector<160x128xf32>,
    return
  }
  func.func @transform_0(%arg0: i32) -> (i32, i32, i32) {
    %c0_i32 = arith.constant 0 : i32
    %c0_i32_0 = arith.constant 0 : i32
    %c0_i32_1 = arith.constant 0 : i32
    %c0_i32_2 = arith.constant 0 : i32
    return %c0_i32, %c0_i32_0, %c0_i32_1 : i32, i32, i32
  }
  func.func @transform_1(%arg0: i32) -> (i32, i32) {
    %c0_i32 = arith.constant 0 : i32
    %c0_i32_0 = arith.constant 0 : i32
    %c0_i32_1 = arith.constant 0 : i32
    return %c0_i32, %c0_i32_0 : i32, i32
  }
}

module attributes {stable_mosaic.version = 14 : i64} {
  func.func @_scale_body(%arg0: i32, %arg1: memref<2048x128xf32, #tpu.memory_space<vmem>>, %arg2: memref<16x128xf32, #tpu.memory_space<vmem>>, %arg3: memref<2048x16xf32, #tpu.memory_space<vmem>>, %arg4: memref<2048x128xf32, #tpu.memory_space<vmem>>, %arg5: memref<2048x128xf32, #tpu.memory_space<vmem>>) attributes {dimension_semantics = [#tpu.dimension_semantics<arbitrary>], iteration_bounds = array<i64: 5>, scalar_prefetch = 0 : i64, scratch_operands = 0 : i64, tpu.core_type = #tpu.core_type<tc>, window_params = [{transform_indices = @transform_0, window_bounds = array<i64: 2048, 128>}, {transform_indices = @transform_1, window_bounds = array<i64: 16, 128>}, {pipeline_mode = #tpu.pipeline_mode<synchronous>, transform_indices = @transform_2, window_bounds = array<i64: 2048, 16>}, {pipeline_mode = #tpu.pipeline_mode<synchronous>, transform_indices = @transform_3, window_bounds = array<i64: 2048, 128>}, {transform_indices = @transform_4, window_bounds = array<i64: 2048, 128>}]} {
    %get3A = arith.constant 0 : index
    %get3A_0 = arith.constant 0 : index
    %get3A_1 = vector.load %arg1[%get3A, %get3A_0] : memref<2048x128xf32, #tpu.memory_space<vmem>>, vector<2048x128xf32>
    %get3A_2 = arith.constant 0 : index
    %get3A_3 = arith.constant 0 : index
    %get3A_4 = vector.load %arg3[%get3A_2, %get3A_3] : memref<2048x16xf32, #tpu.memory_space<vmem>>, vector<2048x16xf32>
    %get3A_5 = arith.constant 0 : index
    %get3A_6 = arith.constant 0 : index
    %get3A_7 = vector.load %arg2[%get3A_5, %get3A_6] : memref<16x128xf32, #tpu.memory_space<vmem>>, vector<16x128xf32>
    %dot_general3A = arith.constant dense<0.000000e+00> : vector<2048x128xf32>
    %dot_general3A_8 = tpu.matmul %get3A_4, %get3A_7, %dot_general3A {dimension_numbers = #tpu.dot_dimension_numbers<[1], [0], [0], [1], [0, 0, 1, 1], [], []>, precision = #tpu.contract_precision<fp32>, transpose_lhs_hint = false} : vector<2048x16xf32>, vector<16x128xf32>, vector<2048x128xf32> -> vector<2048x128xf32>
    %get3A_9 = arith.constant 0 : index
    %get3A_10 = arith.constant 0 : index
    %get3A_11 = vector.load %arg4[%get3A_9, %get3A_10] : memref<2048x128xf32, #tpu.memory_space<vmem>>, vector<2048x128xf32>
    %mul3A = arith.mulf %dot_general3A_8, %get3A_11 : vector<2048x128xf32>
    %reduce_sum3A = arith.constant dense<0.000000e+00> : vector<2048xf32>
    %reduce_sum3A_12 = vector.multi_reduction <add>, %mul3A, %reduce_sum3A [1] : vector<2048x128xf32> to vector<2048xf32>
    %broadcast_in_dim3A = vector.shape_cast %reduce_sum3A_12 : vector<2048xf32> to vector<2048x1xf32>
    %mul3A_13 = vector.broadcast %broadcast_in_dim3A : vector<2048x1xf32> to vector<2048x128xf32>
    %mul3A_14 = arith.mulf %get3A_1, %mul3A_13 : vector<2048x128xf32>
    %swap3A = arith.constant 0 : index
    %swap3A_15 = arith.constant 0 : index
    %swap3A_16 = vector.load %arg5[%swap3A, %swap3A_15] : memref<2048x128xf32, #tpu.memory_space<vmem>>, vector<2048x128xf32>
    tpu.vector_store %arg5[%swap3A, %swap3A_15], %mul3A_14 {strides = array<i32>} : memref<2048x128xf32, #tpu.memory_space<vmem>>, vector<2048x128xf32>,
    return
  }
  func.func @transform_0(%arg0: i32) -> (i32, i32) {
    %c0_i32 = arith.constant 0 : i32
    %c0_i32_0 = arith.constant 0 : i32
    return %arg0, %c0_i32 : i32, i32
  }
  func.func @transform_1(%arg0: i32) -> (i32, i32) {
    %c0_i32 = arith.constant 0 : i32
    %c0_i32_0 = arith.constant 0 : i32
    return %arg0, %c0_i32 : i32, i32
  }
  func.func @transform_2(%arg0: i32) -> (i32, i32) {
    %c0_i32 = arith.constant 0 : i32
    %c0_i32_0 = arith.constant 0 : i32
    %c0_i32_1 = arith.constant 0 : i32
    return %c0_i32, %c0_i32_0 : i32, i32
  }
  func.func @transform_3(%arg0: i32) -> (i32, i32) {
    %c0_i32 = arith.constant 0 : i32
    %c0_i32_0 = arith.constant 0 : i32
    %c0_i32_1 = arith.constant 0 : i32
    return %c0_i32, %c0_i32_0 : i32, i32
  }
  func.func @transform_4(%arg0: i32) -> (i32, i32) {
    %c0_i32 = arith.constant 0 : i32
    %c0_i32_0 = arith.constant 0 : i32
    return %arg0, %c0_i32 : i32, i32
  }
}

module attributes {stable_mosaic.version = 14 : i64} {
  func.func @_dense_body(%arg0: i32, %arg1: memref<2x2048x128xf32, #tpu.memory_space<vmem>>, %arg2: memref<16x128xf32, #tpu.memory_space<vmem>>, %arg3: memref<16x128xf32, #tpu.memory_space<vmem>>, %arg4: memref<2048x16xf32, #tpu.memory_space<vmem>>, %arg5: memref<2048x128xf32, #tpu.memory_space<vmem>>, %arg6: memref<128x256xf32, #tpu.memory_space<vmem>>, %arg7: memref<1x256xf32, #tpu.memory_space<vmem>>, %arg8: memref<256x128xf32, #tpu.memory_space<vmem>>, %arg9: memref<2048x128xf32, #tpu.memory_space<vmem>>) attributes {dimension_semantics = [#tpu.dimension_semantics<arbitrary>], iteration_bounds = array<i64: 5>, scalar_prefetch = 0 : i64, scratch_operands = 0 : i64, tpu.core_type = #tpu.core_type<tc>, window_params = [{transform_indices = @transform_0, window_bounds = array<i64: 2, 2048, 128>}, {transform_indices = @transform_1, window_bounds = array<i64: 16, 128>}, {transform_indices = @transform_2, window_bounds = array<i64: 16, 128>}, {pipeline_mode = #tpu.pipeline_mode<synchronous>, transform_indices = @transform_3, window_bounds = array<i64: 2048, 16>}, {pipeline_mode = #tpu.pipeline_mode<synchronous>, transform_indices = @transform_4, window_bounds = array<i64: 2048, 128>}, {pipeline_mode = #tpu.pipeline_mode<synchronous>, transform_indices = @transform_5, window_bounds = array<i64: 128, 256>}, {pipeline_mode = #tpu.pipeline_mode<synchronous>, transform_indices = @transform_6, window_bounds = array<i64: 1, 256>}, {pipeline_mode = #tpu.pipeline_mode<synchronous>, transform_indices = @transform_7, window_bounds = array<i64: 256, 128>}, {transform_indices = @transform_8, window_bounds = array<i64: 2048, 128>}]} {
    %get3A = arith.constant 0 : index
    %get3A_0 = arith.constant 0 : index
    %get3A_1 = arith.constant 0 : index
    %get3A_2 = vector.load %arg1[%get3A, %get3A_0, %get3A_1] : memref<2x2048x128xf32, #tpu.memory_space<vmem>>, vector<1x2048x128xf32>
    %get3A_3 = vector.shape_cast %get3A_2 : vector<1x2048x128xf32> to vector<2048x128xf32>
    %get3A_4 = arith.constant 1 : index
    %get3A_5 = arith.constant 0 : index
    %get3A_6 = arith.constant 0 : index
    %get3A_7 = vector.load %arg1[%get3A_4, %get3A_5, %get3A_6] : memref<2x2048x128xf32, #tpu.memory_space<vmem>>, vector<1x2048x128xf32>
    %get3A_8 = vector.shape_cast %get3A_7 : vector<1x2048x128xf32> to vector<2048x128xf32>
    %add3A = arith.addf %get3A_3, %get3A_8 : vector<2048x128xf32>
    %get3A_9 = arith.constant 0 : index
    %get3A_10 = arith.constant 0 : index
    %get3A_11 = vector.load %arg4[%get3A_9, %get3A_10] : memref<2048x16xf32, #tpu.memory_space<vmem>>, vector<2048x16xf32>
    %get3A_12 = arith.constant 0 : index
    %get3A_13 = arith.constant 0 : index
    %get3A_14 = vector.load %arg3[%get3A_12, %get3A_13] : memref<16x128xf32, #tpu.memory_space<vmem>>, vector<16x128xf32>
    %dot_general3A = arith.constant dense<0.000000e+00> : vector<2048x128xf32>
    %dot_general3A_15 = tpu.matmul %get3A_11, %get3A_14, %dot_general3A {dimension_numbers = #tpu.dot_dimension_numbers<[1], [0], [0], [1], [0, 0, 1, 1], [], []>, precision = #tpu.contract_precision<fp32>, transpose_lhs_hint = false} : vector<2048x16xf32>, vector<16x128xf32>, vector<2048x128xf32> -> vector<2048x128xf32>
    %get3A_16 = arith.constant 0 : index
    %get3A_17 = arith.constant 0 : index
    %get3A_18 = vector.load %arg5[%get3A_16, %get3A_17] : memref<2048x128xf32, #tpu.memory_space<vmem>>, vector<2048x128xf32>
    %mul3A = arith.mulf %dot_general3A_15, %get3A_18 : vector<2048x128xf32>
    %reduce_sum3A = arith.constant dense<0.000000e+00> : vector<2048xf32>
    %reduce_sum3A_19 = vector.multi_reduction <add>, %mul3A, %reduce_sum3A [1] : vector<2048x128xf32> to vector<2048xf32>
    %broadcast_in_dim3A = vector.shape_cast %reduce_sum3A_19 : vector<2048xf32> to vector<2048x1xf32>
    %mul3A_20 = vector.broadcast %broadcast_in_dim3A : vector<2048x1xf32> to vector<2048x128xf32>
    %mul3A_21 = arith.mulf %add3A, %mul3A_20 : vector<2048x128xf32>
    %get3A_22 = arith.constant 0 : index
    %get3A_23 = arith.constant 0 : index
    %get3A_24 = vector.load %arg6[%get3A_22, %get3A_23] : memref<128x256xf32, #tpu.memory_space<vmem>>, vector<128x256xf32>
    %dot_general3A_25 = arith.constant dense<0.000000e+00> : vector<2048x256xf32>
    %dot_general3A_26 = tpu.matmul %mul3A_21, %get3A_24, %dot_general3A_25 {dimension_numbers = #tpu.dot_dimension_numbers<[1], [0], [0], [1], [0, 0, 1, 1], [], []>, transpose_lhs_hint = false} : vector<2048x128xf32>, vector<128x256xf32>, vector<2048x256xf32> -> vector<2048x256xf32>
    %get3A_27 = arith.constant 0 : index
    %get3A_28 = arith.constant 0 : index
    %get3A_29 = vector.load %arg7[%get3A_27, %get3A_28] : memref<1x256xf32, #tpu.memory_space<vmem>>, vector<1x256xf32>
    %add3A_30 = vector.broadcast %get3A_29 : vector<1x256xf32> to vector<2048x256xf32>
    %add3A_31 = arith.addf %dot_general3A_26, %add3A_30 : vector<2048x256xf32>
    %max3A = arith.constant 0.000000e+00 : f32
    %max3A_32 = vector.broadcast %max3A : f32 to vector<2048x256xf32>
    %max3A_33 = arith.maximumf %add3A_31, %max3A_32 : vector<2048x256xf32>
    %get3A_34 = arith.constant 0 : index
    %get3A_35 = arith.constant 0 : index
    %get3A_36 = vector.load %arg4[%get3A_34, %get3A_35] : memref<2048x16xf32, #tpu.memory_space<vmem>>, vector<2048x16xf32>
    %get3A_37 = arith.constant 0 : index
    %get3A_38 = arith.constant 0 : index
    %get3A_39 = vector.load %arg2[%get3A_37, %get3A_38] : memref<16x128xf32, #tpu.memory_space<vmem>>, vector<16x128xf32>
    %dot_general3A_40 = arith.constant dense<0.000000e+00> : vector<2048x128xf32>
    %dot_general3A_41 = tpu.matmul %get3A_36, %get3A_39, %dot_general3A_40 {dimension_numbers = #tpu.dot_dimension_numbers<[1], [0], [0], [1], [0, 0, 1, 1], [], []>, precision = #tpu.contract_precision<fp32>, transpose_lhs_hint = false} : vector<2048x16xf32>, vector<16x128xf32>, vector<2048x128xf32> -> vector<2048x128xf32>
    %get3A_42 = arith.constant 0 : index
    %get3A_43 = arith.constant 0 : index
    %get3A_44 = vector.load %arg5[%get3A_42, %get3A_43] : memref<2048x128xf32, #tpu.memory_space<vmem>>, vector<2048x128xf32>
    %mul3A_45 = arith.mulf %dot_general3A_41, %get3A_44 : vector<2048x128xf32>
    %reduce_sum3A_46 = arith.constant dense<0.000000e+00> : vector<2048xf32>
    %reduce_sum3A_47 = vector.multi_reduction <add>, %mul3A_45, %reduce_sum3A_46 [1] : vector<2048x128xf32> to vector<2048xf32>
    %broadcast_in_dim3A_48 = vector.shape_cast %reduce_sum3A_47 : vector<2048xf32> to vector<2048x1xf32>
    %mul3A_49 = vector.broadcast %broadcast_in_dim3A_48 : vector<2048x1xf32> to vector<2048x256xf32>
    %mul3A_50 = arith.mulf %max3A_33, %mul3A_49 : vector<2048x256xf32>
    %get3A_51 = arith.constant 0 : index
    %get3A_52 = arith.constant 0 : index
    %get3A_53 = vector.load %arg8[%get3A_51, %get3A_52] : memref<256x128xf32, #tpu.memory_space<vmem>>, vector<256x128xf32>
    %dot_general3A_54 = arith.constant dense<0.000000e+00> : vector<2048x128xf32>
    %dot_general3A_55 = tpu.matmul %mul3A_50, %get3A_53, %dot_general3A_54 {dimension_numbers = #tpu.dot_dimension_numbers<[1], [0], [0], [1], [0, 0, 1, 1], [], []>, transpose_lhs_hint = false} : vector<2048x256xf32>, vector<256x128xf32>, vector<2048x128xf32> -> vector<2048x128xf32>
    %swap3A = arith.constant 0 : index
    %swap3A_56 = arith.constant 0 : index
    %swap3A_57 = vector.load %arg9[%swap3A, %swap3A_56] : memref<2048x128xf32, #tpu.memory_space<vmem>>, vector<2048x128xf32>
    tpu.vector_store %arg9[%swap3A, %swap3A_56], %dot_general3A_55 {strides = array<i32>} : memref<2048x128xf32, #tpu.memory_space<vmem>>, vector<2048x128xf32>,
    return
  }
  func.func @transform_0(%arg0: i32) -> (i32, i32, i32) {
    %c0_i32 = arith.constant 0 : i32
    %c0_i32_0 = arith.constant 0 : i32
    %c0_i32_1 = arith.constant 0 : i32
    return %c0_i32, %arg0, %c0_i32_0 : i32, i32, i32
  }
  func.func @transform_1(%arg0: i32) -> (i32, i32) {
    %c0_i32 = arith.constant 0 : i32
    %c0_i32_0 = arith.constant 0 : i32
    return %arg0, %c0_i32 : i32, i32
  }
  func.func @transform_2(%arg0: i32) -> (i32, i32) {
    %c0_i32 = arith.constant 0 : i32
    %c0_i32_0 = arith.constant 0 : i32
    return %arg0, %c0_i32 : i32, i32
  }
  func.func @transform_3(%arg0: i32) -> (i32, i32) {
    %c0_i32 = arith.constant 0 : i32
    %c0_i32_0 = arith.constant 0 : i32
    %c0_i32_1 = arith.constant 0 : i32
    return %c0_i32, %c0_i32_0 : i32, i32
  }
  func.func @transform_4(%arg0: i32) -> (i32, i32) {
    %c0_i32 = arith.constant 0 : i32
    %c0_i32_0 = arith.constant 0 : i32
    %c0_i32_1 = arith.constant 0 : i32
    return %c0_i32, %c0_i32_0 : i32, i32
  }
  func.func @transform_5(%arg0: i32) -> (i32, i32) {
    %c0_i32 = arith.constant 0 : i32
    %c0_i32_0 = arith.constant 0 : i32
    %c0_i32_1 = arith.constant 0 : i32
    return %c0_i32, %c0_i32_0 : i32, i32
  }
  func.func @transform_6(%arg0: i32) -> (i32, i32) {
    %c0_i32 = arith.constant 0 : i32
    %c0_i32_0 = arith.constant 0 : i32
    %c0_i32_1 = arith.constant 0 : i32
    return %c0_i32, %c0_i32_0 : i32, i32
  }
  func.func @transform_7(%arg0: i32) -> (i32, i32) {
    %c0_i32 = arith.constant 0 : i32
    %c0_i32_0 = arith.constant 0 : i32
    %c0_i32_1 = arith.constant 0 : i32
    return %c0_i32, %c0_i32_0 : i32, i32
  }
  func.func @transform_8(%arg0: i32) -> (i32, i32) {
    %c0_i32 = arith.constant 0 : i32
    %c0_i32_0 = arith.constant 0 : i32
    return %arg0, %c0_i32 : i32, i32
  }
}

module attributes {stable_mosaic.version = 14 : i64} {
  func.func @_final_body(%arg0: i32, %arg1: memref<2x2048x128xf32, #tpu.memory_space<vmem>>, %arg2: memref<16x128xf32, #tpu.memory_space<vmem>>, %arg3: memref<2048x16xf32, #tpu.memory_space<vmem>>, %arg4: memref<2048x128xf32, #tpu.memory_space<vmem>>, %arg5: memref<1x128xf32, #tpu.memory_space<vmem>>, %arg6: memref<2048x128xf32, #tpu.memory_space<vmem>>) attributes {dimension_semantics = [#tpu.dimension_semantics<arbitrary>], iteration_bounds = array<i64: 5>, scalar_prefetch = 0 : i64, scratch_operands = 0 : i64, tpu.core_type = #tpu.core_type<tc>, window_params = [{transform_indices = @transform_0, window_bounds = array<i64: 2, 2048, 128>}, {transform_indices = @transform_1, window_bounds = array<i64: 16, 128>}, {pipeline_mode = #tpu.pipeline_mode<synchronous>, transform_indices = @transform_2, window_bounds = array<i64: 2048, 16>}, {pipeline_mode = #tpu.pipeline_mode<synchronous>, transform_indices = @transform_3, window_bounds = array<i64: 2048, 128>}, {pipeline_mode = #tpu.pipeline_mode<synchronous>, transform_indices = @transform_4, window_bounds = array<i64: 1, 128>}, {transform_indices = @transform_5, window_bounds = array<i64: 2048, 128>}]} {
    %get3A = arith.constant 0 : index
    %get3A_0 = arith.constant 0 : index
    %get3A_1 = arith.constant 0 : index
    %get3A_2 = vector.load %arg1[%get3A, %get3A_0, %get3A_1] : memref<2x2048x128xf32, #tpu.memory_space<vmem>>, vector<1x2048x128xf32>
    %get3A_3 = vector.shape_cast %get3A_2 : vector<1x2048x128xf32> to vector<2048x128xf32>
    %get3A_4 = arith.constant 1 : index
    %get3A_5 = arith.constant 0 : index
    %get3A_6 = arith.constant 0 : index
    %get3A_7 = vector.load %arg1[%get3A_4, %get3A_5, %get3A_6] : memref<2x2048x128xf32, #tpu.memory_space<vmem>>, vector<1x2048x128xf32>
    %get3A_8 = vector.shape_cast %get3A_7 : vector<1x2048x128xf32> to vector<2048x128xf32>
    %add3A = arith.addf %get3A_3, %get3A_8 : vector<2048x128xf32>
    %get3A_9 = arith.constant 0 : index
    %get3A_10 = arith.constant 0 : index
    %get3A_11 = vector.load %arg3[%get3A_9, %get3A_10] : memref<2048x16xf32, #tpu.memory_space<vmem>>, vector<2048x16xf32>
    %get3A_12 = arith.constant 0 : index
    %get3A_13 = arith.constant 0 : index
    %get3A_14 = vector.load %arg2[%get3A_12, %get3A_13] : memref<16x128xf32, #tpu.memory_space<vmem>>, vector<16x128xf32>
    %dot_general3A = arith.constant dense<0.000000e+00> : vector<2048x128xf32>
    %dot_general3A_15 = tpu.matmul %get3A_11, %get3A_14, %dot_general3A {dimension_numbers = #tpu.dot_dimension_numbers<[1], [0], [0], [1], [0, 0, 1, 1], [], []>, precision = #tpu.contract_precision<fp32>, transpose_lhs_hint = false} : vector<2048x16xf32>, vector<16x128xf32>, vector<2048x128xf32> -> vector<2048x128xf32>
    %get3A_16 = arith.constant 0 : index
    %get3A_17 = arith.constant 0 : index
    %get3A_18 = vector.load %arg4[%get3A_16, %get3A_17] : memref<2048x128xf32, #tpu.memory_space<vmem>>, vector<2048x128xf32>
    %mul3A = arith.mulf %dot_general3A_15, %get3A_18 : vector<2048x128xf32>
    %reduce_sum3A = arith.constant dense<0.000000e+00> : vector<2048xf32>
    %reduce_sum3A_19 = vector.multi_reduction <add>, %mul3A, %reduce_sum3A [1] : vector<2048x128xf32> to vector<2048xf32>
    %broadcast_in_dim3A = vector.shape_cast %reduce_sum3A_19 : vector<2048xf32> to vector<2048x1xf32>
    %mul3A_20 = vector.broadcast %broadcast_in_dim3A : vector<2048x1xf32> to vector<2048x128xf32>
    %mul3A_21 = arith.mulf %add3A, %mul3A_20 : vector<2048x128xf32>
    %get3A_22 = arith.constant 0 : index
    %get3A_23 = arith.constant 0 : index
    %get3A_24 = vector.load %arg5[%get3A_22, %get3A_23] : memref<1x128xf32, #tpu.memory_space<vmem>>, vector<1x128xf32>
    %add3A_25 = vector.broadcast %get3A_24 : vector<1x128xf32> to vector<2048x128xf32>
    %add3A_26 = arith.addf %mul3A_21, %add3A_25 : vector<2048x128xf32>
    %max3A = arith.constant 0.000000e+00 : f32
    %max3A_27 = vector.broadcast %max3A : f32 to vector<2048x128xf32>
    %max3A_28 = arith.maximumf %add3A_26, %max3A_27 : vector<2048x128xf32>
    %swap3A = arith.constant 0 : index
    %swap3A_29 = arith.constant 0 : index
    %swap3A_30 = vector.load %arg6[%swap3A, %swap3A_29] : memref<2048x128xf32, #tpu.memory_space<vmem>>, vector<2048x128xf32>
    tpu.vector_store %arg6[%swap3A, %swap3A_29], %max3A_28 {strides = array<i32>} : memref<2048x128xf32, #tpu.memory_space<vmem>>, vector<2048x128xf32>,
    return
  }
  func.func @transform_0(%arg0: i32) -> (i32, i32, i32) {
    %c0_i32 = arith.constant 0 : i32
    %c0_i32_0 = arith.constant 0 : i32
    %c0_i32_1 = arith.constant 0 : i32
    return %c0_i32, %arg0, %c0_i32_0 : i32, i32, i32
  }
  func.func @transform_1(%arg0: i32) -> (i32, i32) {
    %c0_i32 = arith.constant 0 : i32
    %c0_i32_0 = arith.constant 0 : i32
    return %arg0, %c0_i32 : i32, i32
  }
  func.func @transform_2(%arg0: i32) -> (i32, i32) {
    %c0_i32 = arith.constant 0 : i32
    %c0_i32_0 = arith.constant 0 : i32
    %c0_i32_1 = arith.constant 0 : i32
    return %c0_i32, %c0_i32_0 : i32, i32
  }
  func.func @transform_3(%arg0: i32) -> (i32, i32) {
    %c0_i32 = arith.constant 0 : i32
    %c0_i32_0 = arith.constant 0 : i32
    %c0_i32_1 = arith.constant 0 : i32
    return %c0_i32, %c0_i32_0 : i32, i32
  }
  func.func @transform_4(%arg0: i32) -> (i32, i32) {
    %c0_i32 = arith.constant 0 : i32
    %c0_i32_0 = arith.constant 0 : i32
    %c0_i32_1 = arith.constant 0 : i32
    return %c0_i32, %c0_i32_0 : i32, i32
  }
  func.func @transform_5(%arg0: i32) -> (i32, i32) {
    %c0_i32 = arith.constant 0 : i32
    %c0_i32_0 = arith.constant 0 : i32
    return %arg0, %c0_i32 : i32, i32
  }
}

</mosaic_0001>

<sc_bundles>
// kernel: kernel.12.cloned.1.call-start
scs
__scs_entry_jumppad:
0x0: {  	(pc) =	sbr.rel $0x88, $3  }
0x1: {  	(tag) =	ssettag $0x0;
	lr =	simm.s32 $0x1  }
0x2: {  	[smem:$0x3F9B] =	sst lr;
	_ =	strace $0xD0000000  }
0x3: {  	_ = 	snop  }
0x4: {  	_ = 	snop  }
0x5: {  	_ = 	snop  }
0x6: {  	_ = 	snop  }
0x7: {  	_ = 	snop  }
__scs_overlays_trampoline_lowered:
0x8: {  	[smem:$0x3FAA] =	sst s0  }
0x9: {  	[smem:$0x3FAB] =	sst s1  }
0xa: {  	[smem:$0x3FAC] =	sst s2  }
0xb: {  	[smem:$0x3FAD] =	sst s3  }
0xc: {  	[smem:$0x3FAE] =	sst s4  }
0xd: {  	[smem:$0x3FAF] =	sst s5  }
0xe: {  	[smem:$0x3FB0] =	sst s6  }
0xf: {  	[smem:$0x3FB1] =	sst s7  }
0x10: {  	[smem:$0x3FB2] =	sst s8  }
0x11: {  	[smem:$0x3FB3] =	sst s9;
	s0 =	simm.s32 @!p0 $0x0  }
0x12: {  	s1 =	sld [smem:$0x3F99];
	s0 =	simm.s32 @p0 $0x1  }
0x13: {  	[smem:$0x3FB4] =	sst s0;
	s0 =	simm.s32 @!p1 $0x0  }
0x14: {  	s2 =	sld [smem:$0x3F98];
	s0 =	simm.s32 @p1 $0x1  }
0x15: {  	[smem:$0x3FB5] =	sst s0;
	s0 =	simm.s32 @!p2 $0x0  }
0x16: {  	s3 =	sld [smem:$0x3FDB];
	s0 =	simm.s32 @p2 $0x1  }
0x17: {  	s4 =	simm.s32 $0x1BF5;
	[smem:$0x3FB7] =	sst s0  }
0x18: {  	s0 =	sld [smem:$0x3F9A];
	_ =	swait.ge [sflag:s4], $0x0  }
0x19: {  	s7 =	sld [smem:$0x3F9B]  }
0x1a: {  	s8 =	sadd.s32 $0xFFFFE003, lr  }
0x1b: {  	s9 =	sadd.s32 $0xFFFFFEF7, lr;
	s5 =	simm.s32 $0xFFFFFFFF;
	p2 =	slt.u32 s8, $0xFFFFF086  }
0x1c: {  	p1 =	slt.u32 s9, $0xF7A;
	s5 =	simm.s32 @!p2 $0x0  }
0x1d: {  	s5 =	simm.s32 @p1 $0x1;
	p0 =	seq.s32 s7, s2  }
0x1e: {  	s7 =	smul.u32 @!p0 $0xF7A, s2;
	p2 =	seq.s32 @!p0 s5, $0x0  }
0x1f: {  	s9 =	smul.u32 $0xF7A, s1;
	s8 =	simm.s32 @!p0 $0x1BF5;
	p2 =	por !p2, p0  }
0x20: {  	[sflag:s8] =	ssyncset.s32 @!p0 $0xFFFFF086;
	s6 =	sadd.s32 @!p0 s3, s7;
	s7 =	simm.s32 @!p0 $0x108  }
0x21: {  	s3 =	sadd.s32 s3, s9;
	s6 =	sadd.s32 @!p0 $0x88, s6;
	s7 =	simm.s32 @p2 $0x1082  }
0x22: {  	[simem:s7], [sflag:s8] =	dma.local @!p0 [hbm:s6], $0xF7A  }
0x23: {  	s9 =	sor.u32 $0xD0000000, s2;
	s6 =	simm.s32 $0x108;
	_ =	swait.ge @!p0 [sflag:s8], $0x0  }
0x24: {  	s3 =	sadd.s32 $0x88, s3;
	s6 =	simm.s32 @!p1 $0x1082;
	[sflag:s4] =	ssyncset.s32 $0xFFFFF086  }
0x25: {  	[simem:s6], [sflag:s4] =	dma.local [hbm:s3], $0xF7A  }
0x26: {  	[smem:$0x3F9B] =	sst s1;
	(tag) =	ssettag s2;
	_ =	strace s9  }
0x27: {  	s1 =	sld [smem:$0x3FAB]  }
0x28: {  	s2 =	sld [smem:$0x3FAC]  }
0x29: {  	s4 =	sld [smem:$0x3FAE]  }
0x2a: {  	p0 =	seq.s32 s5, $0x0;
	s5 =	sld [smem:$0x3FAF]  }
0x2b: {  	s6 =	sld [smem:$0x3FB0]  }
0x2c: {  	s7 =	sld [smem:$0x3FB1]  }
0x2d: {  	s3 =	simm.s32 $0x108;
	s8 =	sld [smem:$0x3FB2]  }
0x2e: {  	s3 =	simm.s32 @!p0 $0x1082;
	s9 =	sld [smem:$0x3FB3]  }
0x2f: {  	lr =	sadd.s32 s0, s3;
	s0 =	sld [smem:$0x3FAA]  }
0x30: {  	s3 =	sld [smem:$0x3FAD]  }
0x31: {  	[smem:$0x3FB6] =	sst s10  }
0x32: {  	s10 =	sld [smem:$0x3FB4];
	_ =	sdelay $0x3  }
0x33: {  	p0 =	seq.s32 s10, $0x1;
	s10 =	sld [smem:$0x3FB6];
	_ =	sdelay $0x3  }
0x34: {  	[smem:$0x3FB6] =	sst s10  }
0x35: {  	s10 =	sld [smem:$0x3FB5];
	_ =	sdelay $0x3  }
0x36: {  	p1 =	seq.s32 s10, $0x1;
	s10 =	sld [smem:$0x3FB6];
	_ =	sdelay $0x3  }
0x37: {  	[smem:$0x3FB6] =	sst s10  }
0x38: {  	s10 =	sld [smem:$0x3FB7]  }
0x39: {  	_ = 	snop;
	(pc) =	sbr.ind lr, $3  }
0x3a: {  	_ = 	snop  }
0x3b: {  	_ = 	snop  }
0x3c: {  	p2 =	seq.s32 s10, $0x1;
	s10 =	sld [smem:$0x3FB6]  }
0x3d: {  	_ =	shalt  }
0x3e: {  	_ =	shalt  }
0x3f: {  	_ =	shalt  }
0x40: {  	_ =	shalt  }
0x41: {  	_ =	shalt  }
0x42: {  	_ =	shalt  }
0x43: {  	_ =	shalt  }
0x44: {  	_ =	shalt  }
0x45: {  	_ =	shalt  }
0x46: {  	_ =	shalt  }
0x47: {  	_ =	shalt  }
0x48: {  	_ =	shalt  }
0x49: {  	_ =	shalt  }
0x4a: {  	_ =	shalt  }
0x4b: {  	_ =	shalt  }
0x4c: {  	_ =	shalt  }
0x4d: {  	_ =	shalt  }
0x4e: {  	_ =	shalt  }
0x4f: {  	_ =	shalt  }
0x50: {  	_ =	shalt  }
0x51: {  	_ =	shalt  }
0x52: {  	_ =	shalt  }
0x53: {  	_ =	shalt  }
0x54: {  	_ =	shalt  }
0x55: {  	_ =	shalt  }
0x56: {  	_ =	shalt  }
0x57: {  	_ =	shalt  }
0x58: {  	_ =	shalt  }
0x59: {  	_ =	shalt  }
0x5a: {  	_ =	shalt  }
0x5b: {  	_ =	shalt  }
0x5c: {  	_ =	shalt  }
0x5d: {  	_ =	shalt  }
0x5e: {  	_ =	shalt  }
0x5f: {  	_ =	shalt  }
0x60: {  	_ =	shalt  }
0x61: {  	_ =	shalt  }
0x62: {  	_ =	shalt  }
0x63: {  	_ =	shalt  }
0x64: {  	_ =	shalt  }
0x65: {  	_ =	shalt  }
0x66: {  	_ =	shalt  }
0x67: {  	_ =	shalt  }
0x68: {  	_ =	shalt  }
0x69: {  	_ =	shalt  }
0x6a: {  	_ =	shalt  }
0x6b: {  	_ =	shalt  }
0x6c: {  	_ =	shalt  }
0x6d: {  	_ =	shalt  }
0x6e: {  	_ =	shalt  }
0x6f: {  	_ =	shalt  }
0x70: {  	_ =	shalt  }
0x71: {  	_ =	shalt  }
0x72: {  	_ =	shalt  }
0x73: {  	_ =	shalt  }
0x74: {  	_ =	shalt  }
0x75: {  	_ =	shalt  }
0x76: {  	_ =	shalt  }
0x77: {  	_ =	shalt  }
0x78: {  	_ =	shalt  }
0x79: {  	_ =	shalt  }
0x7a: {  	_ =	shalt  }
0x7b: {  	_ =	shalt  }
0x7c: {  	_ =	shalt  }
0x7d: {  	_ =	shalt  }
0x7e: {  	_ =	shalt  }
0x7f: {  	_ =	shalt  }
0x80: {  	_ =	shalt  }
0x81: {  	_ =	shalt  }
0x82: {  	_ =	shalt  }
0x83: {  	_ =	shalt  }
0x84: {  	_ =	shalt  }
0x85: {  	_ =	shalt  }
0x86: {  	_ =	shalt  }
0x87: {  	_ =	shalt  }
.Lfunc_end0:
.L_simem_size_0:
called_computation.1_lowered:
.L_overlay_start_0:
0x88: {  	s2 =	sld [smem:$0x3FD9]  }
0x89: {  	s3 =	sld [smem:$0x3FFE];
	_ =	sdelay $0x1  }
0x8a: {  	s1 =	srdreg.scid  }
0x8b: {  	s0 =	sand.u32 $0x1, s1  }
0x8c: {  	s17 =	sshll.u32 s0, $0xA;
	s2 =	sadd.s32 s3, s2  }
0x8d: {  	s2 =	sadd.s32 s2, s17  }
0x8e: {  	[smem:$0x3FC2] =	sst s2  }
0x8f: {  	_ = 	snop  }
0x90: {  	s2 =	sld [smem:$0x3FD0];
	(tm) =	ssettm $0x1  }
0x91: {  	s18 =	sld [smem:$0x3FFB];
	_ =	sdelay $0x3  }
0x92: {  	_ =	strace s18  }
0x93: {  	s3 =	sld [smem:$0x3FFC];
	_ =	sdelay $0x3  }
0x94: {  	_ =	strace s3  }
0x95: {  	s3 =	sld [smem:$0x3FFD];
	_ =	sdelay $0x3  }
0x96: {  	_ =	strace s3  }
0x97: {  	_ =	strace $0x8FFFFFFF  }
0x98: {  	s19 =	sld [smem:$0x3FDB];
	_ =	sdelay $0x1  }
0x99: {  	s4 =	simm.s32 $_scs_section_size  }
0x9a: {  	s5 =	simm.s32 $_size__tile_overlayer_lowered;
	s6 =	simm.s32 $_tile_overlayer_lowered  }
0x9b: {  	s22 =	simm.s32 $0x1BFF;
	s21 =	sshll.u32 s6, $0x1;
	s3 =	sadd.s32 s4, s19  }
0x9c: {  	s7 =	simm.s32 $0x0;
	s20 =	sshll.u32 s5, $0x1;
	s5 =	sadd.s32 s21, s3  }
0x9d: {  	[timem:s7], [sflag:s22] =	dma.local [hbm:s5], s20  }
0x9e: {  	_ =	swait.ge [sflag:s22], s20  }
0x9f: {  	s4 =	ssub.s32 $0x0, s20;
	[sflag:s22] =	ssyncset.done $0x0  }
0xa0: {  	[sflag:s22] =	ssyncadd.s32 s4;
	_ =	sdelay $0x1  }
0xa1: {  	s23 =	simm.s32 $0x1B8B  }
0xa2: {  	_ =	swait.ge [sflag:s23], $0x1  }
0xa3: {  	[sflag:s23] =	ssyncset.done $0x0  }
0xa4: {  	s25 =	simm.s32 $0x1B8E;
	s24 =	sld [smem:$0x3FFE];
	[sflag:s23] =	ssyncadd.s32 $0xFFFFFFFF  }
0xa5: {  	s26 =	simm.s32 $execute0_lowered;
	[smem:$0x3FD2] =	sst s25  }
0xa6: {  	s5 =	sshll.u32 s26, $0x1;
	_ =	strace $0x80000049;
	[dreg:$0x1] =	wrdreg $0xFFFFFFFF  }
0xa7: {  	s28 =	simm.s32 $_size_execute0_lowered;
	s3 =	sadd.s32 s3, s5;
	[dreg:$0x0] =	wrdreg $0x0  }
0xa8: {  	s5 =	sshll.u32 s28, $0x1;
	[dreg:$0x2] =	wrdreg s3  }
0xa9: {  	[dreg:$0x3] =	wrdreg s5  }
0xaa: {  	[dreg:$0x4] =	wrdreg $0xC0  }
0xab: {  	_ =	task [dreg:s7], $0x5FFFF  }
0xac: {  	[dreg:$0x1] =	wrdreg $0xFFFFFFFF  }
0xad: {  	[dreg:$0x0] =	wrdreg $0x60  }
0xae: {  	[dreg:$0x2] =	wrdreg s2  }
0xaf: {  	[dreg:$0x3] =	wrdreg s24  }
0xb0: {  	[dreg:$0x4] =	wrdreg $0xA0000  }
0xb1: {  	[dreg:$0x5] =	wrdreg $0x9  }
0xb2: {  	_ =	task.clear_ibuf [dreg:s7], $0x6FFFF;
	_ =	strace $0x90000049  }
0xb3: {  	s29 =	simm.s32 $0x9;
	_ =	strace $0x8000004B  }
0xb4: {  	_ =	swait.ge [sflag:s29], $0x1  }
0xb5: {  	[sflag:s29] =	ssyncadd.s32 $0xFFFFFFFF  }
0xb6: {  	_ =	strace $0x9000004B  }
0xb7: {  	_ =	sfence  }
0xb8: {  	s30 =	sld [smem:$0x0];
	_ =	sdelay $0x2  }
0xb9: {  	s31 =	sshll.u32 s1, $0xD;
	s1 =	sshrl.u32 s1, $0x2  }
0xba: {  	s3 =	sand.u32 $0x4000, s31;
	s1 =	sadd.s32 s1, s30  }
0xbb: {  	s0 =	sor.u32 s3, s0;
	s1 =	sshll.u32 s1, $0x11  }
0xbc: {  	s0 =	sor.u32 s1, s0  }
0xbd: {  	s0 =	sadd.s32 $0x8F2B, s0  }
0xbe: {  	[sflag:s0] =	ssyncadd.remote.s32 $0x1  }
0xbf: {  	_ =	sfence.sel $0xFFFF  }
0xc0: {  	[dreg:$0x0] =	wrdreg $0xFFFFFFFF;
	(pc) =	sbr.abs _section_cstart, $3  }
0xc1: {  	[dreg:$0x1] =	wrdreg $0xFFFFFFFF  }
0xc2: {  	_ =	task.clear_ibuf [dreg:s7], $0x2FFFF;
	_ =	strace $0x9FFFFFFF  }
0xc3: {  	(tm) =	ssettm $0x7FFFFFFF  }
tec
execute0_lowered:
.L_overlay_start_1:
0x0: {  	(tag) =	ssettag $0x1  }
0x1: {  	s0 =	rddreg [dreg:$0x0]  }
0x2: {  	s1 =	rddreg [dreg:$0x1]  }
0x3: {  	s2 =	srdreg.scid;
	s3 =	rddreg [dreg:$0x2]  }
0x4: {  	s28 =	stileid.u32;
	s4 =	simm.s32 $0x0;
	s15 =	simm.s32 $0x3  }
0x5: {  	s16 =	simm.s32 $0x1000;
	s17 =	simm.s32 $0x80;
	s18 =	simm.s32 $0x2000  }
0x6: {  	s19 =	simm.s32 $0x1;
	s20 =	simm.s32 $0x6000;
	s22 =	simm.s32 $0x2  }
0x7: {  	s23 =	simm.s32 $0x0;
	s8 =	sand.u32 $0x1, s2;
	s7 =	smul.u32 $0x13C00, s28  }
0x8: {  	[smem:$0x7FF] =	sst s4;
	s5 =	sadd.s32 $0xC400, s1;
	s11 =	smul.u32 $0x4F000, s28  }
0x9: {  	s29 =	sadd.s32 $0x2400, s1;
	s12 =	sshll.u32 s28, $0x6;
	s6 =	smul.u32 $0x13C000, s8  }
0xa: {  	_ =	strace $0x8000004A;
	s10 =	ssub.s32 $0x2, s8;
	s8 =	sshll.u32 s8, $0x4  }
0xb: {  	[dreg:$0x4] =	wrdreg s29;
	s30 =	sshrl.u32 s10, $0x1;
	s8 =	sor.u32 s28, s8  }
0xc: {  	s11 =	sshrl.u32 s11, $0x2;
	s9 =	sadd.s32 s7, s6;
	s6 =	sadd.s32 $0x16400, s1  }
0xd: {  	s8 =	smul.u32 $0x2800, s8;
	s13 =	ssub.s32 s10, s30;
	s14 =	sadd.s32 s11, s3  }
0xe: {  	s9 =	sshrl.u32 s9, $0x3;
	s11 =	smax.u32 s13, $0x1;
	s14 =	sshrl.u32 s14, $0x3  }
0xf: {  	s1 =	sadd.s32 s9, s1;
	s9 =	sor.u32 $0x1C03, s12;
	s31 =	sshrl.u32 s8, $0x3  }
0x10: {  	s10 =	sadd.s32 $0x20400, s1;
	s12 =	sadd.s32 s5, s31;
	s13 =	sadd.s32 s6, s31  }
.LBB2_1:
0x11: {  	s1 =	rddreg [dreg:$0x4]  }
0x12: {  	[spmem:s14], [sflag:s9] =	dma.local [hbm:s1], $0x2780  }
0x13: {  	_ =	swait.ge [sflag:s15], $0x2780  }
0x14: {  	[sflag:s15] =	ssyncset.done $0x0  }
0x15: {  	[sflag:s15] =	ssyncadd.s32 $0xFFFFD880  }
0x16: {  	[bflag:$0x0] =	sbarrier.arrive $0xFFFF  }
0x17: {  	[tilespmem:s4], [sflag:$0x3] =	stream.linear.gather [hbm4b:s12+s4], $0x800, $0x38;
	[tilespmem:$0x1DC00] =	vst v63  }
0x18: {  	_ =	swait.ge [sflag:s15], $0x800  }
0x19: {  	[sflag:s15] =	ssyncset.done $0x0  }
0x1a: {  	[sflag:s15] =	ssyncadd.s32 $0xFFFFF800  }
0x1b: {  	[tilespmem:s16], [sflag:$0x3] =	stream.linear.gather [hbm4b:s13+s4], $0x800, $0x38;
	[tilespmem:$0x1DC00] =	vst v63  }
0x1c: {  	_ =	swait.ge [sflag:s15], $0x800  }
0x1d: {  	[sflag:s15] =	ssyncset.done $0x0  }
0x1e: {  	[sflag:s15] =	ssyncadd.s32 $0xFFFFF800  }
0x1f: {  	[tilespmem:s18], [sflag:$0x1] =	stream.indirect.gather [hbm4b:s0+s17], $0x80, s4, s17, $0xb8;
	[tilespmem:$0x1DC00] =	vst v63  }
0x20: {  	_ =	swait.ge [sflag:s19], $0x4000  }
0x21: {  	[sflag:s19] =	ssyncset.done $0x0  }
0x22: {  	[sflag:s19] =	ssyncadd.s32 $0xFFFFC000  }
0x23: {  	[spmem:s3] =	stream.indirect.scatter.add.f32 [tilespmem:s18], [sflag:$0x2], $0x80, s16, s17, $0xb8;
	[tilespmem:$0x1DC00] =	vst v63  }
0x24: {  	s2 =	simm.s32 $0x1080;
	s7 =	sand.u32 $0xF, s22  }
0x25: {  	[tilespmem:s20], [sflag:$0x1] =	stream.indirect.gather [hbm4b:s0+s17], $0x80, s17, s17, $0xb8;
	[tilespmem:$0x1DC00] =	vst v63  }
0x26: {  	s24 =	simm.s32 $0x0;
	p0 =	sne.s32 s7, $0x0;
	_ =	swait.ge [sflag:s19], $0x4000  }
0x27: {  	s28 =	sand.u32 $0x1, s24;
	s25 =	sadd.s32 @!p0 $0x0, s8;
	[sflag:s19] =	ssyncset.done $0x0  }
0x28: {  	s26 =	sshll.u32 @!p0 s28, $0xB;
	s24 =	sshrl.u32 @!p0 s25, $0x3;
	[sflag:s19] =	ssyncadd.s32 $0xFFFFC000  }
0x29: {  	[spmem:s3] =	stream.indirect.scatter.add.f32 [tilespmem:s20], [sflag:$0x2], $0x80, s2, s17, $0xb8;
	[tilespmem:$0x1DC00] =	vst v63  }
0x2a: {  	s30 =	simm.s32 @!p0 $0x0;
	s25 =	simm.s32 @!p0 $0x3;
	s29 =	sadd.s32 @!p0 s5, s24  }
0x2b: {  	[tilespmem:s26], [sflag:$0x3] =	stream.linear.gather @!p0 [hbm4b:s29+s30], $0x800, $0x38;
	[tilespmem:$0x1DC00] =	vst v63  }
0x2c: {  	_ =	swait.ge @!p0 [sflag:s25], $0x800  }
0x2d: {  	s24 =	sadd.s32 @!p0 s6, s24;
	[sflag:s25] =	ssyncset.done @!p0 $0x0  }
0x2e: {  	s26 =	sor.u32 @!p0 $0x1000, s26;
	s29 =	simm.s32 $0x20000;
	[sflag:s25] =	ssyncadd.s32 @!p0 $0xFFFFF800  }
0x2f: {  	[tilespmem:s26], [sflag:$0x3] =	stream.linear.gather @!p0 [hbm4b:s24+s30], $0x800, $0x38;
	[tilespmem:$0x1DC00] =	vst v63  }
0x30: {  	s31 =	simm.s32 $0x0;
	s21 =	sand.u32 $0x10000, s29;
	_ =	swait.ge @!p0 [sflag:s25], $0x800  }
0x31: {  	s1 =	sshll.u32 s7, $0x7;
	s29 =	sshrl.u32 s21, $0x2;
	[sflag:s25] =	ssyncset.done @!p0 $0x0  }
0x32: {  	s28 =	sshll.u32 s28, $0xB;
	s29 =	sor.u32 $0x2000, s29;
	[sflag:s25] =	ssyncadd.s32 @!p0 $0xFFFFF800  }
0x33: {  	s24 =	simm.s32 $0x30000;
	s26 =	simm.s32 $0x3;
	_ =	swait.ge [sflag:s22], $0x4000  }
0x34: {  	s30 =	sor.u32 s1, s28;
	s25 =	sand.u32 $0xF, s26;
	[sflag:s22] =	ssyncset.done $0x0  }
0x35: {  	s28 =	simm.s32 $0x40000;
	p0 =	sne.s32 s25, $0x0;
	[sflag:s22] =	ssyncadd.s32 $0xFFFFC000  }
0x36: {  	[tilespmem:s29], [sflag:$0x1] =	stream.indirect.gather [hbm4b:s0+s17], $0x80, s30, s17, $0xb8;
	[tilespmem:$0x1DC00] =	vst v63  }
0x37: {  	s1 =	simm.s32 @!p0 $0x0;
	s30 =	sor.u32 $0x1000, s30;
	_ =	swait.ge [sflag:s19], $0x4000  }
.LBB2_2:
0x38: {  	s31 =	sand.u32 $0x1, s31;
	s1 =	sadd.s32 @!p0 s8, s1  }
0x39: {  	[sflag:s19] =	ssyncset.done $0x0;
	s2 =	smov.u32 s24;
	s24 =	smov.u32 s28  }
0x3a: {  	s21 =	simm.s32 @!p0 $0x3;
	s1 =	sshrl.u32 @!p0 s1, $0x3;
	[sflag:s19] =	ssyncadd.s32 $0xFFFFC000  }
0x3b: {  	[spmem:s3] =	stream.indirect.scatter.add.f32 [tilespmem:s29], [sflag:$0x2], $0x80, s30, s17, $0xb8;
	[tilespmem:$0x1DC00] =	vst v63  }
0x3c: {  	s7 =	simm.s32 @!p0 $0x0;
	s29 =	sshll.u32 @!p0 s31, $0xB;
	s30 =	sadd.s32 @!p0 s5, s1  }
0x3d: {  	[tilespmem:s29], [sflag:$0x3] =	stream.linear.gather @!p0 [hbm4b:s30+s7], $0x800, $0x38;
	[tilespmem:$0x1DC00] =	vst v63  }
0x3e: {  	s1 =	sadd.s32 @!p0 s6, s1;
	s29 =	sor.u32 @!p0 $0x1000, s29;
	_ =	swait.ge @!p0 [sflag:s21], $0x800  }
0x3f: {  	s28 =	sadd.s32 $0x10000, s28;
	[sflag:s21] =	ssyncset.done @!p0 $0x0  }
0x40: {  	p1 =	sne.s32 s28, $0x500000;
	[sflag:s21] =	ssyncadd.s32 @!p0 $0xFFFFF800  }
0x41: {  	[tilespmem:s29], [sflag:$0x3] =	stream.linear.gather @!p0 [hbm4b:s1+s7], $0x800, $0x38;
	[tilespmem:$0x1DC00] =	vst v63  }
0x42: {  	_ =	swait.ge @!p0 [sflag:s21], $0x800  }
0x43: {  	[sflag:s21] =	ssyncset.done @!p0 $0x0  }
0x44: {  	s26 =	sadd.s32 $0x1, s26;
	s1 =	sand.u32 $0x10000, s2;
	[sflag:s21] =	ssyncadd.s32 @!p0 $0xFFFFF800  }
0x45: {  	s2 =	sshll.u32 s25, $0x7;
	s7 =	sshll.u32 s31, $0xB;
	_ =	swait.ge [sflag:s22], $0x4000  }
.Ltmp0:
0x46: {  	s1 =	sshrl.u32 s1, $0x2;
	[sflag:s22] =	ssyncset.done $0x0;
	(pc) =	sbr.rel @p1 .LBB2_2-.Ltmp0, $4  }
0x47: {  	s25 =	sand.u32 $0xF, s26;
	s2 =	sor.u32 s2, s7;
	[sflag:s22] =	ssyncadd.s32 $0xFFFFC000  }
0x48: {  	s31 =	sshrl.u32 s26, $0x4;
	s29 =	sor.u32 $0x2000, s1;
	p0 =	sne.s32 s25, $0x0  }
0x49: {  	[tilespmem:s29], [sflag:$0x1] =	stream.indirect.gather [hbm4b:s0+s17], $0x80, s2, s17, $0xb8;
	[tilespmem:$0x1DC00] =	vst v63  }
0x4a: {  	s30 =	sor.u32 $0x1000, s2;
	s1 =	sshll.u32 @!p0 s31, $0xB;
	_ =	swait.ge [sflag:s19], $0x4000  }
0x4b: {  	s2 =	sand.u32 $0x1, s31;
	s1 =	sadd.s32 @!p0 s8, s1;
	[sflag:s19] =	ssyncset.done $0x0  }
0x4c: {  	s7 =	simm.s32 @!p0 $0x3;
	s1 =	sshrl.u32 @!p0 s1, $0x3;
	[sflag:s19] =	ssyncadd.s32 $0xFFFFC000  }
0x4d: {  	[spmem:s3] =	stream.indirect.scatter.add.f32 [tilespmem:s29], [sflag:$0x2], $0x80, s30, s17, $0xb8;
	[tilespmem:$0x1DC00] =	vst v63  }
0x4e: {  	s28 =	simm.s32 @!p0 $0x0;
	s21 =	sshll.u32 @!p0 s2, $0xB;
	s26 =	sadd.s32 @!p0 s5, s1  }
0x4f: {  	[tilespmem:s21], [sflag:$0x3] =	stream.linear.gather @!p0 [hbm4b:s26+s28], $0x800, $0x38;
	[tilespmem:$0x1DC00] =	vst v63  }
0x50: {  	_ =	swait.ge @!p0 [sflag:s7], $0x800  }
0x51: {  	[sflag:s7] =	ssyncset.done @!p0 $0x0  }
0x52: {  	s1 =	sadd.s32 @!p0 s6, s1;
	s21 =	sor.u32 @!p0 $0x1000, s21;
	[sflag:s7] =	ssyncadd.s32 @!p0 $0xFFFFF800  }
0x53: {  	[tilespmem:s21], [sflag:$0x3] =	stream.linear.gather @!p0 [hbm4b:s1+s28], $0x800, $0x38;
	[tilespmem:$0x1DC00] =	vst v63  }
0x54: {  	_ =	swait.ge @!p0 [sflag:s7], $0x800  }
0x55: {  	[sflag:s7] =	ssyncset.done @!p0 $0x0  }
0x56: {  	[sflag:s7] =	ssyncadd.s32 @!p0 $0xFFFFF800  }
0x57: {  	s31 =	sshll.u32 s25, $0x7;
	s30 =	sand.u32 $0x10000, s24;
	_ =	swait.ge [sflag:s22], $0x4000  }
0x58: {  	s2 =	sshll.u32 s2, $0xB;
	s1 =	sshrl.u32 s30, $0x2;
	[sflag:s22] =	ssyncset.done $0x0  }
0x59: {  	s2 =	sor.u32 s31, s2;
	s1 =	sor.u32 $0x2000, s1;
	[sflag:s22] =	ssyncadd.s32 $0xFFFFC000  }
0x5a: {  	[tilespmem:s1], [sflag:$0x1] =	stream.indirect.gather [hbm4b:s0+s17], $0x80, s2, s17, $0xb8;
	[tilespmem:$0x1DC00] =	vst v63  }
0x5b: {  	_ =	swait.ge [sflag:s19], $0x4000  }
0x5c: {  	[sflag:s19] =	ssyncset.done $0x0  }
0x5d: {  	s2 =	sor.u32 $0x1000, s2;
	[sflag:s19] =	ssyncadd.s32 $0xFFFFC000  }
0x5e: {  	[spmem:s3] =	stream.indirect.scatter.add.f32 [tilespmem:s1], [sflag:$0x2], $0x80, s2, s17, $0xb8;
	[tilespmem:$0x1DC00] =	vst v63  }
0x5f: {  	_ =	swait.ge [sflag:s22], $0x4000  }
0x60: {  	[sflag:s22] =	ssyncset.done $0x0  }
0x61: {  	[sflag:s22] =	ssyncadd.s32 $0xFFFFC000  }
0x62: {  	_ =	swait.ge [sflag:s22], $0x4000  }
0x63: {  	s23 =	sadd.s32 $0x1, s23;
	[sflag:s22] =	ssyncset.done $0x0  }
0x64: {  	p0 =	sne.s32 s23, s11;
	[sflag:s22] =	ssyncadd.s32 $0xFFFFC000  }
.Ltmp1:
0x65: {  	[bflag:$0x0] =	sbarrier.arrive $0xFFFF;
	(pc) =	sbr.rel @p0 .LBB2_1-.Ltmp1, $4  }
0x66: {  	[hbm:s10], [sflag:s9] =	dma.local [spmem:s14], $0x2780  }
0x67: {  	_ =	swait.ge [sflag:s15], $0x2780  }
0x68: {  	[sflag:s15] =	ssyncset.done $0x0  }
0x69: {  	[sflag:s15] =	ssyncadd.s32 $0xFFFFD880  }
0x6a: {  	_ =	sfence.sel $0x180000  }
0x6b: {  	[bflag:$0x0] =	sbarrier.arrive $0xFFFF  }
0x6c: {  	_ =	strace $0x9000004A  }
0x6d: {  	s0 =	stileid.u32;
	[bflag:$0x2] =	sbarrier.arrive $0xFFFF  }
0x6e: {  	p0 =	sne.s32 s0, $0x0;
	s0 =	rddreg [dreg:$0x3]  }
0x6f: {  	s0 =	sadd.s32 @!p0 $0x100000, s0  }
0x70: {  	[sflag:s0] =	ssyncadd.tile.s32 @!p0 $0x1;
	_ =	shalt  }
.Lfunc_end2:
_tile_overlayer_lowered:
.L_overlay_start_2:
0x71: {  	(tag) =	ssettag $0x2  }
0x72: {  	s0 =	rddreg [dreg:$0x0];
	s2 =	stileid.u32  }
0x73: {  	s1 =	rddreg [dreg:$0x1];
	p0 =	sne.s32 s2, $0x0  }
0x74: {  	s3 =	rddreg [dreg:$0x2];
	[bflag:$0x3] =	sbarrier.arrive $0xFFFF;
	s2 =	simm.s32 @!p0 $0x1C03  }
0x75: {  	[timem:s3], [sflag:s2] =	dma.local @!p0 [hbm:s0], s1  }
0x76: {  	s0 =	simm.s32 @!p0 $0x3  }
0x77: {  	_ =	swait.ge @!p0 [sflag:s0], s1  }
0x78: {  	s1 =	ssub.s32 @!p0 $0x0, s1;
	[sflag:s0] =	ssyncset.done @!p0 $0x0  }
0x79: {  	[sflag:s0] =	ssyncadd.s32 @!p0 s1  }
0x7a: {  	[bflag:$0x3] =	sbarrier.arrive $0xFFFF  }
0x7b: {  	_ =	shalt  }

// kernel: kernel.15.cloned.1.call-start
scs
__scs_entry_jumppad:
0x0: {  	(pc) =	sbr.rel $0x88, $3  }
0x1: {  	(tag) =	ssettag $0x0;
	lr =	simm.s32 $0x1  }
0x2: {  	[smem:$0x3F9B] =	sst lr;
	_ =	strace $0xD0000000  }
0x3: {  	_ = 	snop  }
0x4: {  	_ = 	snop  }
0x5: {  	_ = 	snop  }
0x6: {  	_ = 	snop  }
0x7: {  	_ = 	snop  }
__scs_overlays_trampoline_lowered:
0x8: {  	[smem:$0x3FAA] =	sst s0  }
0x9: {  	[smem:$0x3FAB] =	sst s1  }
0xa: {  	[smem:$0x3FAC] =	sst s2  }
0xb: {  	[smem:$0x3FAD] =	sst s3  }
0xc: {  	[smem:$0x3FAE] =	sst s4  }
0xd: {  	[smem:$0x3FAF] =	sst s5  }
0xe: {  	[smem:$0x3FB0] =	sst s6  }
0xf: {  	[smem:$0x3FB1] =	sst s7  }
0x10: {  	[smem:$0x3FB2] =	sst s8  }
0x11: {  	[smem:$0x3FB3] =	sst s9;
	s0 =	simm.s32 @!p0 $0x0  }
0x12: {  	s1 =	sld [smem:$0x3F99];
	s0 =	simm.s32 @p0 $0x1  }
0x13: {  	[smem:$0x3FB4] =	sst s0;
	s0 =	simm.s32 @!p1 $0x0  }
0x14: {  	s2 =	sld [smem:$0x3F98];
	s0 =	simm.s32 @p1 $0x1  }
0x15: {  	[smem:$0x3FB5] =	sst s0;
	s0 =	simm.s32 @!p2 $0x0  }
0x16: {  	s3 =	sld [smem:$0x3FDB];
	s0 =	simm.s32 @p2 $0x1  }
0x17: {  	s4 =	simm.s32 $0x1BF5;
	[smem:$0x3FB7] =	sst s0  }
0x18: {  	s0 =	sld [smem:$0x3F9A];
	_ =	swait.ge [sflag:s4], $0x0  }
0x19: {  	s7 =	sld [smem:$0x3F9B]  }
0x1a: {  	s8 =	sadd.s32 $0xFFFFE003, lr  }
0x1b: {  	s9 =	sadd.s32 $0xFFFFFEF7, lr;
	s5 =	simm.s32 $0xFFFFFFFF;
	p2 =	slt.u32 s8, $0xFFFFF086  }
0x1c: {  	p1 =	slt.u32 s9, $0xF7A;
	s5 =	simm.s32 @!p2 $0x0  }
0x1d: {  	s5 =	simm.s32 @p1 $0x1;
	p0 =	seq.s32 s7, s2  }
0x1e: {  	s7 =	smul.u32 @!p0 $0xF7A, s2;
	p2 =	seq.s32 @!p0 s5, $0x0  }
0x1f: {  	s9 =	smul.u32 $0xF7A, s1;
	s8 =	simm.s32 @!p0 $0x1BF5;
	p2 =	por !p2, p0  }
0x20: {  	[sflag:s8] =	ssyncset.s32 @!p0 $0xFFFFF086;
	s6 =	sadd.s32 @!p0 s3, s7;
	s7 =	simm.s32 @!p0 $0x108  }
0x21: {  	s3 =	sadd.s32 s3, s9;
	s6 =	sadd.s32 @!p0 $0x88, s6;
	s7 =	simm.s32 @p2 $0x1082  }
0x22: {  	[simem:s7], [sflag:s8] =	dma.local @!p0 [hbm:s6], $0xF7A  }
0x23: {  	s9 =	sor.u32 $0xD0000000, s2;
	s6 =	simm.s32 $0x108;
	_ =	swait.ge @!p0 [sflag:s8], $0x0  }
0x24: {  	s3 =	sadd.s32 $0x88, s3;
	s6 =	simm.s32 @!p1 $0x1082;
	[sflag:s4] =	ssyncset.s32 $0xFFFFF086  }
0x25: {  	[simem:s6], [sflag:s4] =	dma.local [hbm:s3], $0xF7A  }
0x26: {  	[smem:$0x3F9B] =	sst s1;
	(tag) =	ssettag s2;
	_ =	strace s9  }
0x27: {  	s1 =	sld [smem:$0x3FAB]  }
0x28: {  	s2 =	sld [smem:$0x3FAC]  }
0x29: {  	s4 =	sld [smem:$0x3FAE]  }
0x2a: {  	p0 =	seq.s32 s5, $0x0;
	s5 =	sld [smem:$0x3FAF]  }
0x2b: {  	s6 =	sld [smem:$0x3FB0]  }
0x2c: {  	s7 =	sld [smem:$0x3FB1]  }
0x2d: {  	s3 =	simm.s32 $0x108;
	s8 =	sld [smem:$0x3FB2]  }
0x2e: {  	s3 =	simm.s32 @!p0 $0x1082;
	s9 =	sld [smem:$0x3FB3]  }
0x2f: {  	lr =	sadd.s32 s0, s3;
	s0 =	sld [smem:$0x3FAA]  }
0x30: {  	s3 =	sld [smem:$0x3FAD]  }
0x31: {  	[smem:$0x3FB6] =	sst s10  }
0x32: {  	s10 =	sld [smem:$0x3FB4];
	_ =	sdelay $0x3  }
0x33: {  	p0 =	seq.s32 s10, $0x1;
	s10 =	sld [smem:$0x3FB6];
	_ =	sdelay $0x3  }
0x34: {  	[smem:$0x3FB6] =	sst s10  }
0x35: {  	s10 =	sld [smem:$0x3FB5];
	_ =	sdelay $0x3  }
0x36: {  	p1 =	seq.s32 s10, $0x1;
	s10 =	sld [smem:$0x3FB6];
	_ =	sdelay $0x3  }
0x37: {  	[smem:$0x3FB6] =	sst s10  }
0x38: {  	s10 =	sld [smem:$0x3FB7]  }
0x39: {  	_ = 	snop;
	(pc) =	sbr.ind lr, $3  }
0x3a: {  	_ = 	snop  }
0x3b: {  	_ = 	snop  }
0x3c: {  	p2 =	seq.s32 s10, $0x1;
	s10 =	sld [smem:$0x3FB6]  }
0x3d: {  	_ =	shalt  }
0x3e: {  	_ =	shalt  }
0x3f: {  	_ =	shalt  }
0x40: {  	_ =	shalt  }
0x41: {  	_ =	shalt  }
0x42: {  	_ =	shalt  }
0x43: {  	_ =	shalt  }
0x44: {  	_ =	shalt  }
0x45: {  	_ =	shalt  }
0x46: {  	_ =	shalt  }
0x47: {  	_ =	shalt  }
0x48: {  	_ =	shalt  }
0x49: {  	_ =	shalt  }
0x4a: {  	_ =	shalt  }
0x4b: {  	_ =	shalt  }
0x4c: {  	_ =	shalt  }
0x4d: {  	_ =	shalt  }
0x4e: {  	_ =	shalt  }
0x4f: {  	_ =	shalt  }
0x50: {  	_ =	shalt  }
0x51: {  	_ =	shalt  }
0x52: {  	_ =	shalt  }
0x53: {  	_ =	shalt  }
0x54: {  	_ =	shalt  }
0x55: {  	_ =	shalt  }
0x56: {  	_ =	shalt  }
0x57: {  	_ =	shalt  }
0x58: {  	_ =	shalt  }
0x59: {  	_ =	shalt  }
0x5a: {  	_ =	shalt  }
0x5b: {  	_ =	shalt  }
0x5c: {  	_ =	shalt  }
0x5d: {  	_ =	shalt  }
0x5e: {  	_ =	shalt  }
0x5f: {  	_ =	shalt  }
0x60: {  	_ =	shalt  }
0x61: {  	_ =	shalt  }
0x62: {  	_ =	shalt  }
0x63: {  	_ =	shalt  }
0x64: {  	_ =	shalt  }
0x65: {  	_ =	shalt  }
0x66: {  	_ =	shalt  }
0x67: {  	_ =	shalt  }
0x68: {  	_ =	shalt  }
0x69: {  	_ =	shalt  }
0x6a: {  	_ =	shalt  }
0x6b: {  	_ =	shalt  }
0x6c: {  	_ =	shalt  }
0x6d: {  	_ =	shalt  }
0x6e: {  	_ =	shalt  }
0x6f: {  	_ =	shalt  }
0x70: {  	_ =	shalt  }
0x71: {  	_ =	shalt  }
0x72: {  	_ =	shalt  }
0x73: {  	_ =	shalt  }
0x74: {  	_ =	shalt  }
0x75: {  	_ =	shalt  }
0x76: {  	_ =	shalt  }
0x77: {  	_ =	shalt  }
0x78: {  	_ =	shalt  }
0x79: {  	_ =	shalt  }
0x7a: {  	_ =	shalt  }
0x7b: {  	_ =	shalt  }
0x7c: {  	_ =	shalt  }
0x7d: {  	_ =	shalt  }
0x7e: {  	_ =	shalt  }
0x7f: {  	_ =	shalt  }
0x80: {  	_ =	shalt  }
0x81: {  	_ =	shalt  }
0x82: {  	_ =	shalt  }
0x83: {  	_ =	shalt  }
0x84: {  	_ =	shalt  }
0x85: {  	_ =	shalt  }
0x86: {  	_ =	shalt  }
0x87: {  	_ =	shalt  }
.Lfunc_end0:
.L_simem_size_0:
called_computation.2_lowered:
.L_overlay_start_0:
0x88: {  	s2 =	sld [smem:$0x3FD9]  }
0x89: {  	s3 =	sld [smem:$0x3FFE];
	_ =	sdelay $0x1  }
0x8a: {  	s1 =	srdreg.scid  }
0x8b: {  	s0 =	sand.u32 $0x1, s1  }
0x8c: {  	s17 =	sshll.u32 s0, $0xA;
	s2 =	sadd.s32 s3, s2  }
0x8d: {  	s2 =	sadd.s32 s2, s17  }
0x8e: {  	[smem:$0x3FC2] =	sst s2  }
0x8f: {  	_ = 	snop  }
0x90: {  	s2 =	sld [smem:$0x3FD0];
	(tm) =	ssettm $0x1  }
0x91: {  	s18 =	sld [smem:$0x3FFB];
	_ =	sdelay $0x3  }
0x92: {  	_ =	strace s18  }
0x93: {  	s3 =	sld [smem:$0x3FFC];
	_ =	sdelay $0x3  }
0x94: {  	_ =	strace s3  }
0x95: {  	s3 =	sld [smem:$0x3FFD];
	_ =	sdelay $0x3  }
0x96: {  	_ =	strace s3  }
0x97: {  	_ =	strace $0x8FFFFFFF  }
0x98: {  	s19 =	sld [smem:$0x3FDB];
	_ =	sdelay $0x1  }
0x99: {  	s4 =	simm.s32 $_scs_section_size  }
0x9a: {  	s5 =	simm.s32 $_size__tile_overlayer_lowered;
	s6 =	simm.s32 $_tile_overlayer_lowered  }
0x9b: {  	s22 =	simm.s32 $0x1BFF;
	s21 =	sshll.u32 s6, $0x1;
	s3 =	sadd.s32 s4, s19  }
0x9c: {  	s7 =	simm.s32 $0x0;
	s20 =	sshll.u32 s5, $0x1;
	s5 =	sadd.s32 s21, s3  }
0x9d: {  	[timem:s7], [sflag:s22] =	dma.local [hbm:s5], s20  }
0x9e: {  	_ =	swait.ge [sflag:s22], s20  }
0x9f: {  	s4 =	ssub.s32 $0x0, s20;
	[sflag:s22] =	ssyncset.done $0x0  }
0xa0: {  	[sflag:s22] =	ssyncadd.s32 s4;
	_ =	sdelay $0x1  }
0xa1: {  	s23 =	simm.s32 $0x1B8B  }
0xa2: {  	_ =	swait.ge [sflag:s23], $0x1  }
0xa3: {  	[sflag:s23] =	ssyncset.done $0x0  }
0xa4: {  	s25 =	simm.s32 $0x1B8E;
	s24 =	sld [smem:$0x3FFE];
	[sflag:s23] =	ssyncadd.s32 $0xFFFFFFFF  }
0xa5: {  	s26 =	simm.s32 $execute0_lowered;
	[smem:$0x3FD2] =	sst s25  }
0xa6: {  	s5 =	sshll.u32 s26, $0x1;
	_ =	strace $0x8000004C;
	[dreg:$0x1] =	wrdreg $0xFFFFFFFF  }
0xa7: {  	s28 =	simm.s32 $_size_execute0_lowered;
	s3 =	sadd.s32 s3, s5;
	[dreg:$0x0] =	wrdreg $0x0  }
0xa8: {  	s5 =	sshll.u32 s28, $0x1;
	[dreg:$0x2] =	wrdreg s3  }
0xa9: {  	[dreg:$0x3] =	wrdreg s5  }
0xaa: {  	[dreg:$0x4] =	wrdreg $0xC0  }
0xab: {  	_ =	task [dreg:s7], $0x5FFFF  }
0xac: {  	[dreg:$0x1] =	wrdreg $0xFFFFFFFF  }
0xad: {  	[dreg:$0x0] =	wrdreg $0x60  }
0xae: {  	[dreg:$0x2] =	wrdreg s2  }
0xaf: {  	[dreg:$0x3] =	wrdreg s24  }
0xb0: {  	[dreg:$0x4] =	wrdreg $0xA0000  }
0xb1: {  	[dreg:$0x5] =	wrdreg $0x9  }
0xb2: {  	_ =	task.clear_ibuf [dreg:s7], $0x6FFFF;
	_ =	strace $0x9000004C  }
0xb3: {  	s29 =	simm.s32 $0x9;
	_ =	strace $0x8000004E  }
0xb4: {  	_ =	swait.ge [sflag:s29], $0x1  }
0xb5: {  	[sflag:s29] =	ssyncadd.s32 $0xFFFFFFFF  }
0xb6: {  	_ =	strace $0x9000004E  }
0xb7: {  	_ =	sfence  }
0xb8: {  	s30 =	sld [smem:$0x0];
	_ =	sdelay $0x2  }
0xb9: {  	s31 =	sshll.u32 s1, $0xD;
	s1 =	sshrl.u32 s1, $0x2  }
0xba: {  	s3 =	sand.u32 $0x4000, s31;
	s1 =	sadd.s32 s1, s30  }
0xbb: {  	s0 =	sor.u32 s3, s0;
	s1 =	sshll.u32 s1, $0x11  }
0xbc: {  	s0 =	sor.u32 s1, s0  }
0xbd: {  	s0 =	sadd.s32 $0x8F2B, s0  }
0xbe: {  	[sflag:s0] =	ssyncadd.remote.s32 $0x1  }
0xbf: {  	_ =	sfence.sel $0xFFFF  }
0xc0: {  	[dreg:$0x0] =	wrdreg $0xFFFFFFFF;
	(pc) =	sbr.abs _section_cstart, $3  }
0xc1: {  	[dreg:$0x1] =	wrdreg $0xFFFFFFFF  }
0xc2: {  	_ =	task.clear_ibuf [dreg:s7], $0x2FFFF;
	_ =	strace $0x9FFFFFFF  }
0xc3: {  	(tm) =	ssettm $0x7FFFFFFF  }
tec
execute0_lowered:
.L_overlay_start_1:
0x0: {  	(tag) =	ssettag $0x1  }
0x1: {  	s0 =	rddreg [dreg:$0x0]  }
0x2: {  	s1 =	rddreg [dreg:$0x1]  }
0x3: {  	s2 =	srdreg.scid;
	s3 =	rddreg [dreg:$0x2]  }
0x4: {  	s28 =	stileid.u32;
	s4 =	simm.s32 $0x0;
	s15 =	simm.s32 $0x3  }
0x5: {  	s16 =	simm.s32 $0x1000;
	s17 =	simm.s32 $0x80;
	s18 =	simm.s32 $0x2000  }
0x6: {  	s19 =	simm.s32 $0x1;
	s20 =	simm.s32 $0x6000;
	s22 =	simm.s32 $0x2  }
0x7: {  	s23 =	simm.s32 $0x0;
	s8 =	sand.u32 $0x1, s2;
	s7 =	smul.u32 $0x13C00, s28  }
0x8: {  	[smem:$0x7FF] =	sst s4;
	s5 =	sadd.s32 $0xC400, s1;
	s11 =	smul.u32 $0x4F000, s28  }
0x9: {  	s29 =	sadd.s32 $0x2400, s1;
	s12 =	sshll.u32 s28, $0x6;
	s6 =	smul.u32 $0x13C000, s8  }
0xa: {  	_ =	strace $0x8000004D;
	s10 =	ssub.s32 $0x2, s8;
	s8 =	sshll.u32 s8, $0x4  }
0xb: {  	[dreg:$0x4] =	wrdreg s29;
	s30 =	sshrl.u32 s10, $0x1;
	s8 =	sor.u32 s28, s8  }
0xc: {  	s11 =	sshrl.u32 s11, $0x2;
	s9 =	sadd.s32 s7, s6;
	s6 =	sadd.s32 $0x16400, s1  }
0xd: {  	s8 =	smul.u32 $0x2800, s8;
	s13 =	ssub.s32 s10, s30;
	s14 =	sadd.s32 s11, s3  }
0xe: {  	s9 =	sshrl.u32 s9, $0x3;
	s11 =	smax.u32 s13, $0x1;
	s14 =	sshrl.u32 s14, $0x3  }
0xf: {  	s1 =	sadd.s32 s9, s1;
	s9 =	sor.u32 $0x1C03, s12;
	s31 =	sshrl.u32 s8, $0x3  }
0x10: {  	s10 =	sadd.s32 $0x20400, s1;
	s12 =	sadd.s32 s5, s31;
	s13 =	sadd.s32 s6, s31  }
.LBB2_1:
0x11: {  	s1 =	rddreg [dreg:$0x4]  }
0x12: {  	[spmem:s14], [sflag:s9] =	dma.local [hbm:s1], $0x2780  }
0x13: {  	_ =	swait.ge [sflag:s15], $0x2780  }
0x14: {  	[sflag:s15] =	ssyncset.done $0x0  }
0x15: {  	[sflag:s15] =	ssyncadd.s32 $0xFFFFD880  }
0x16: {  	[bflag:$0x0] =	sbarrier.arrive $0xFFFF  }
0x17: {  	[tilespmem:s4], [sflag:$0x3] =	stream.linear.gather [hbm4b:s12+s4], $0x800, $0x38;
	[tilespmem:$0x1DC00] =	vst v63  }
0x18: {  	_ =	swait.ge [sflag:s15], $0x800  }
0x19: {  	[sflag:s15] =	ssyncset.done $0x0  }
0x1a: {  	[sflag:s15] =	ssyncadd.s32 $0xFFFFF800  }
0x1b: {  	[tilespmem:s16], [sflag:$0x3] =	stream.linear.gather [hbm4b:s13+s4], $0x800, $0x38;
	[tilespmem:$0x1DC00] =	vst v63  }
0x1c: {  	_ =	swait.ge [sflag:s15], $0x800  }
0x1d: {  	[sflag:s15] =	ssyncset.done $0x0  }
0x1e: {  	[sflag:s15] =	ssyncadd.s32 $0xFFFFF800  }
0x1f: {  	[tilespmem:s18], [sflag:$0x1] =	stream.indirect.gather [hbm4b:s0+s17], $0x80, s4, s17, $0xb8;
	[tilespmem:$0x1DC00] =	vst v63  }
0x20: {  	_ =	swait.ge [sflag:s19], $0x4000  }
0x21: {  	[sflag:s19] =	ssyncset.done $0x0  }
0x22: {  	[sflag:s19] =	ssyncadd.s32 $0xFFFFC000  }
0x23: {  	[spmem:s3] =	stream.indirect.scatter.add.f32 [tilespmem:s18], [sflag:$0x2], $0x80, s16, s17, $0xb8;
	[tilespmem:$0x1DC00] =	vst v63  }
0x24: {  	s2 =	simm.s32 $0x1080;
	s7 =	sand.u32 $0xF, s22  }
0x25: {  	[tilespmem:s20], [sflag:$0x1] =	stream.indirect.gather [hbm4b:s0+s17], $0x80, s17, s17, $0xb8;
	[tilespmem:$0x1DC00] =	vst v63  }
0x26: {  	s24 =	simm.s32 $0x0;
	p0 =	sne.s32 s7, $0x0;
	_ =	swait.ge [sflag:s19], $0x4000  }
0x27: {  	s28 =	sand.u32 $0x1, s24;
	s25 =	sadd.s32 @!p0 $0x0, s8;
	[sflag:s19] =	ssyncset.done $0x0  }
0x28: {  	s26 =	sshll.u32 @!p0 s28, $0xB;
	s24 =	sshrl.u32 @!p0 s25, $0x3;
	[sflag:s19] =	ssyncadd.s32 $0xFFFFC000  }
0x29: {  	[spmem:s3] =	stream.indirect.scatter.add.f32 [tilespmem:s20], [sflag:$0x2], $0x80, s2, s17, $0xb8;
	[tilespmem:$0x1DC00] =	vst v63  }
0x2a: {  	s30 =	simm.s32 @!p0 $0x0;
	s25 =	simm.s32 @!p0 $0x3;
	s29 =	sadd.s32 @!p0 s5, s24  }
0x2b: {  	[tilespmem:s26], [sflag:$0x3] =	stream.linear.gather @!p0 [hbm4b:s29+s30], $0x800, $0x38;
	[tilespmem:$0x1DC00] =	vst v63  }
0x2c: {  	_ =	swait.ge @!p0 [sflag:s25], $0x800  }
0x2d: {  	s24 =	sadd.s32 @!p0 s6, s24;
	[sflag:s25] =	ssyncset.done @!p0 $0x0  }
0x2e: {  	s26 =	sor.u32 @!p0 $0x1000, s26;
	s29 =	simm.s32 $0x20000;
	[sflag:s25] =	ssyncadd.s32 @!p0 $0xFFFFF800  }
0x2f: {  	[tilespmem:s26], [sflag:$0x3] =	stream.linear.gather @!p0 [hbm4b:s24+s30], $0x800, $0x38;
	[tilespmem:$0x1DC00] =	vst v63  }
0x30: {  	s31 =	simm.s32 $0x0;
	s21 =	sand.u32 $0x10000, s29;
	_ =	swait.ge @!p0 [sflag:s25], $0x800  }
0x31: {  	s1 =	sshll.u32 s7, $0x7;
	s29 =	sshrl.u32 s21, $0x2;
	[sflag:s25] =	ssyncset.done @!p0 $0x0  }
0x32: {  	s28 =	sshll.u32 s28, $0xB;
	s29 =	sor.u32 $0x2000, s29;
	[sflag:s25] =	ssyncadd.s32 @!p0 $0xFFFFF800  }
0x33: {  	s24 =	simm.s32 $0x30000;
	s26 =	simm.s32 $0x3;
	_ =	swait.ge [sflag:s22], $0x4000  }
0x34: {  	s30 =	sor.u32 s1, s28;
	s25 =	sand.u32 $0xF, s26;
	[sflag:s22] =	ssyncset.done $0x0  }
0x35: {  	s28 =	simm.s32 $0x40000;
	p0 =	sne.s32 s25, $0x0;
	[sflag:s22] =	ssyncadd.s32 $0xFFFFC000  }
0x36: {  	[tilespmem:s29], [sflag:$0x1] =	stream.indirect.gather [hbm4b:s0+s17], $0x80, s30, s17, $0xb8;
	[tilespmem:$0x1DC00] =	vst v63  }
0x37: {  	s1 =	simm.s32 @!p0 $0x0;
	s30 =	sor.u32 $0x1000, s30;
	_ =	swait.ge [sflag:s19], $0x4000  }
.LBB2_2:
0x38: {  	s31 =	sand.u32 $0x1, s31;
	s1 =	sadd.s32 @!p0 s8, s1  }
0x39: {  	[sflag:s19] =	ssyncset.done $0x0;
	s2 =	smov.u32 s24;
	s24 =	smov.u32 s28  }
0x3a: {  	s21 =	simm.s32 @!p0 $0x3;
	s1 =	sshrl.u32 @!p0 s1, $0x3;
	[sflag:s19] =	ssyncadd.s32 $0xFFFFC000  }
0x3b: {  	[spmem:s3] =	stream.indirect.scatter.add.f32 [tilespmem:s29], [sflag:$0x2], $0x80, s30, s17, $0xb8;
	[tilespmem:$0x1DC00] =	vst v63  }
0x3c: {  	s7 =	simm.s32 @!p0 $0x0;
	s29 =	sshll.u32 @!p0 s31, $0xB;
	s30 =	sadd.s32 @!p0 s5, s1  }
0x3d: {  	[tilespmem:s29], [sflag:$0x3] =	stream.linear.gather @!p0 [hbm4b:s30+s7], $0x800, $0x38;
	[tilespmem:$0x1DC00] =	vst v63  }
0x3e: {  	s1 =	sadd.s32 @!p0 s6, s1;
	s29 =	sor.u32 @!p0 $0x1000, s29;
	_ =	swait.ge @!p0 [sflag:s21], $0x800  }
0x3f: {  	s28 =	sadd.s32 $0x10000, s28;
	[sflag:s21] =	ssyncset.done @!p0 $0x0  }
0x40: {  	p1 =	sne.s32 s28, $0x500000;
	[sflag:s21] =	ssyncadd.s32 @!p0 $0xFFFFF800  }
0x41: {  	[tilespmem:s29], [sflag:$0x3] =	stream.linear.gather @!p0 [hbm4b:s1+s7], $0x800, $0x38;
	[tilespmem:$0x1DC00] =	vst v63  }
0x42: {  	_ =	swait.ge @!p0 [sflag:s21], $0x800  }
0x43: {  	[sflag:s21] =	ssyncset.done @!p0 $0x0  }
0x44: {  	s26 =	sadd.s32 $0x1, s26;
	s1 =	sand.u32 $0x10000, s2;
	[sflag:s21] =	ssyncadd.s32 @!p0 $0xFFFFF800  }
0x45: {  	s2 =	sshll.u32 s25, $0x7;
	s7 =	sshll.u32 s31, $0xB;
	_ =	swait.ge [sflag:s22], $0x4000  }
.Ltmp0:
0x46: {  	s1 =	sshrl.u32 s1, $0x2;
	[sflag:s22] =	ssyncset.done $0x0;
	(pc) =	sbr.rel @p1 .LBB2_2-.Ltmp0, $4  }
0x47: {  	s25 =	sand.u32 $0xF, s26;
	s2 =	sor.u32 s2, s7;
	[sflag:s22] =	ssyncadd.s32 $0xFFFFC000  }
0x48: {  	s31 =	sshrl.u32 s26, $0x4;
	s29 =	sor.u32 $0x2000, s1;
	p0 =	sne.s32 s25, $0x0  }
0x49: {  	[tilespmem:s29], [sflag:$0x1] =	stream.indirect.gather [hbm4b:s0+s17], $0x80, s2, s17, $0xb8;
	[tilespmem:$0x1DC00] =	vst v63  }
0x4a: {  	s30 =	sor.u32 $0x1000, s2;
	s1 =	sshll.u32 @!p0 s31, $0xB;
	_ =	swait.ge [sflag:s19], $0x4000  }
0x4b: {  	s2 =	sand.u32 $0x1, s31;
	s1 =	sadd.s32 @!p0 s8, s1;
	[sflag:s19] =	ssyncset.done $0x0  }
0x4c: {  	s7 =	simm.s32 @!p0 $0x3;
	s1 =	sshrl.u32 @!p0 s1, $0x3;
	[sflag:s19] =	ssyncadd.s32 $0xFFFFC000  }
0x4d: {  	[spmem:s3] =	stream.indirect.scatter.add.f32 [tilespmem:s29], [sflag:$0x2], $0x80, s30, s17, $0xb8;
	[tilespmem:$0x1DC00] =	vst v63  }
0x4e: {  	s28 =	simm.s32 @!p0 $0x0;
	s21 =	sshll.u32 @!p0 s2, $0xB;
	s26 =	sadd.s32 @!p0 s5, s1  }
0x4f: {  	[tilespmem:s21], [sflag:$0x3] =	stream.linear.gather @!p0 [hbm4b:s26+s28], $0x800, $0x38;
	[tilespmem:$0x1DC00] =	vst v63  }
0x50: {  	_ =	swait.ge @!p0 [sflag:s7], $0x800  }
0x51: {  	[sflag:s7] =	ssyncset.done @!p0 $0x0  }
0x52: {  	s1 =	sadd.s32 @!p0 s6, s1;
	s21 =	sor.u32 @!p0 $0x1000, s21;
	[sflag:s7] =	ssyncadd.s32 @!p0 $0xFFFFF800  }
0x53: {  	[tilespmem:s21], [sflag:$0x3] =	stream.linear.gather @!p0 [hbm4b:s1+s28], $0x800, $0x38;
	[tilespmem:$0x1DC00] =	vst v63  }
0x54: {  	_ =	swait.ge @!p0 [sflag:s7], $0x800  }
0x55: {  	[sflag:s7] =	ssyncset.done @!p0 $0x0  }
0x56: {  	[sflag:s7] =	ssyncadd.s32 @!p0 $0xFFFFF800  }
0x57: {  	s31 =	sshll.u32 s25, $0x7;
	s30 =	sand.u32 $0x10000, s24;
	_ =	swait.ge [sflag:s22], $0x4000  }
0x58: {  	s2 =	sshll.u32 s2, $0xB;
	s1 =	sshrl.u32 s30, $0x2;
	[sflag:s22] =	ssyncset.done $0x0  }
0x59: {  	s2 =	sor.u32 s31, s2;
	s1 =	sor.u32 $0x2000, s1;
	[sflag:s22] =	ssyncadd.s32 $0xFFFFC000  }
0x5a: {  	[tilespmem:s1], [sflag:$0x1] =	stream.indirect.gather [hbm4b:s0+s17], $0x80, s2, s17, $0xb8;
	[tilespmem:$0x1DC00] =	vst v63  }
0x5b: {  	_ =	swait.ge [sflag:s19], $0x4000  }
0x5c: {  	[sflag:s19] =	ssyncset.done $0x0  }
0x5d: {  	s2 =	sor.u32 $0x1000, s2;
	[sflag:s19] =	ssyncadd.s32 $0xFFFFC000  }
0x5e: {  	[spmem:s3] =	stream.indirect.scatter.add.f32 [tilespmem:s1], [sflag:$0x2], $0x80, s2, s17, $0xb8;
	[tilespmem:$0x1DC00] =	vst v63  }
0x5f: {  	_ =	swait.ge [sflag:s22], $0x4000  }
0x60: {  	[sflag:s22] =	ssyncset.done $0x0  }
0x61: {  	[sflag:s22] =	ssyncadd.s32 $0xFFFFC000  }
0x62: {  	_ =	swait.ge [sflag:s22], $0x4000  }
0x63: {  	s23 =	sadd.s32 $0x1, s23;
	[sflag:s22] =	ssyncset.done $0x0  }
0x64: {  	p0 =	sne.s32 s23, s11;
	[sflag:s22] =	ssyncadd.s32 $0xFFFFC000  }
.Ltmp1:
0x65: {  	[bflag:$0x0] =	sbarrier.arrive $0xFFFF;
	(pc) =	sbr.rel @p0 .LBB2_1-.Ltmp1, $4  }
0x66: {  	[hbm:s10], [sflag:s9] =	dma.local [spmem:s14], $0x2780  }
0x67: {  	_ =	swait.ge [sflag:s15], $0x2780  }
0x68: {  	[sflag:s15] =	ssyncset.done $0x0  }
0x69: {  	[sflag:s15] =	ssyncadd.s32 $0xFFFFD880  }
0x6a: {  	_ =	sfence.sel $0x180000  }
0x6b: {  	[bflag:$0x0] =	sbarrier.arrive $0xFFFF  }
0x6c: {  	_ =	strace $0x9000004D  }
0x6d: {  	s0 =	stileid.u32;
	[bflag:$0x2] =	sbarrier.arrive $0xFFFF  }
0x6e: {  	p0 =	sne.s32 s0, $0x0;
	s0 =	rddreg [dreg:$0x3]  }
0x6f: {  	s0 =	sadd.s32 @!p0 $0x100000, s0  }
0x70: {  	[sflag:s0] =	ssyncadd.tile.s32 @!p0 $0x1;
	_ =	shalt  }
.Lfunc_end2:
_tile_overlayer_lowered:
.L_overlay_start_2:
0x71: {  	(tag) =	ssettag $0x2  }
0x72: {  	s0 =	rddreg [dreg:$0x0];
	s2 =	stileid.u32  }
0x73: {  	s1 =	rddreg [dreg:$0x1];
	p0 =	sne.s32 s2, $0x0  }
0x74: {  	s3 =	rddreg [dreg:$0x2];
	[bflag:$0x3] =	sbarrier.arrive $0xFFFF;
	s2 =	simm.s32 @!p0 $0x1C03  }
0x75: {  	[timem:s3], [sflag:s2] =	dma.local @!p0 [hbm:s0], s1  }
0x76: {  	s0 =	simm.s32 @!p0 $0x3  }
0x77: {  	_ =	swait.ge @!p0 [sflag:s0], s1  }
0x78: {  	s1 =	ssub.s32 @!p0 $0x0, s1;
	[sflag:s0] =	ssyncset.done @!p0 $0x0  }
0x79: {  	[sflag:s0] =	ssyncadd.s32 @!p0 s1  }
0x7a: {  	[bflag:$0x3] =	sbarrier.arrive $0xFFFF  }
0x7b: {  	_ =	shalt  }

// kernel: kernel.9.cloned.1.call-start
scs
__scs_entry_jumppad:
0x0: {  	(pc) =	sbr.rel $0x88, $3  }
0x1: {  	(tag) =	ssettag $0x0;
	lr =	simm.s32 $0x1  }
0x2: {  	[smem:$0x3F9B] =	sst lr;
	_ =	strace $0xD0000000  }
0x3: {  	_ = 	snop  }
0x4: {  	_ = 	snop  }
0x5: {  	_ = 	snop  }
0x6: {  	_ = 	snop  }
0x7: {  	_ = 	snop  }
__scs_overlays_trampoline_lowered:
0x8: {  	[smem:$0x3FAA] =	sst s0  }
0x9: {  	[smem:$0x3FAB] =	sst s1  }
0xa: {  	[smem:$0x3FAC] =	sst s2  }
0xb: {  	[smem:$0x3FAD] =	sst s3  }
0xc: {  	[smem:$0x3FAE] =	sst s4  }
0xd: {  	[smem:$0x3FAF] =	sst s5  }
0xe: {  	[smem:$0x3FB0] =	sst s6  }
0xf: {  	[smem:$0x3FB1] =	sst s7  }
0x10: {  	[smem:$0x3FB2] =	sst s8  }
0x11: {  	[smem:$0x3FB3] =	sst s9;
	s0 =	simm.s32 @!p0 $0x0  }
0x12: {  	s1 =	sld [smem:$0x3F99];
	s0 =	simm.s32 @p0 $0x1  }
0x13: {  	[smem:$0x3FB4] =	sst s0;
	s0 =	simm.s32 @!p1 $0x0  }
0x14: {  	s2 =	sld [smem:$0x3F98];
	s0 =	simm.s32 @p1 $0x1  }
0x15: {  	[smem:$0x3FB5] =	sst s0;
	s0 =	simm.s32 @!p2 $0x0  }
0x16: {  	s3 =	sld [smem:$0x3FDB];
	s0 =	simm.s32 @p2 $0x1  }
0x17: {  	s4 =	simm.s32 $0x1BF5;
	[smem:$0x3FB7] =	sst s0  }
0x18: {  	s0 =	sld [smem:$0x3F9A];
	_ =	swait.ge [sflag:s4], $0x0  }
0x19: {  	s7 =	sld [smem:$0x3F9B]  }
0x1a: {  	s8 =	sadd.s32 $0xFFFFE003, lr  }
0x1b: {  	s9 =	sadd.s32 $0xFFFFFEF7, lr;
	s5 =	simm.s32 $0xFFFFFFFF;
	p2 =	slt.u32 s8, $0xFFFFF086  }
0x1c: {  	p1 =	slt.u32 s9, $0xF7A;
	s5 =	simm.s32 @!p2 $0x0  }
0x1d: {  	s5 =	simm.s32 @p1 $0x1;
	p0 =	seq.s32 s7, s2  }
0x1e: {  	s7 =	smul.u32 @!p0 $0xF7A, s2;
	p2 =	seq.s32 @!p0 s5, $0x0  }
0x1f: {  	s9 =	smul.u32 $0xF7A, s1;
	s8 =	simm.s32 @!p0 $0x1BF5;
	p2 =	por !p2, p0  }
0x20: {  	[sflag:s8] =	ssyncset.s32 @!p0 $0xFFFFF086;
	s6 =	sadd.s32 @!p0 s3, s7;
	s7 =	simm.s32 @!p0 $0x108  }
0x21: {  	s3 =	sadd.s32 s3, s9;
	s6 =	sadd.s32 @!p0 $0x88, s6;
	s7 =	simm.s32 @p2 $0x1082  }
0x22: {  	[simem:s7], [sflag:s8] =	dma.local @!p0 [hbm:s6], $0xF7A  }
0x23: {  	s9 =	sor.u32 $0xD0000000, s2;
	s6 =	simm.s32 $0x108;
	_ =	swait.ge @!p0 [sflag:s8], $0x0  }
0x24: {  	s3 =	sadd.s32 $0x88, s3;
	s6 =	simm.s32 @!p1 $0x1082;
	[sflag:s4] =	ssyncset.s32 $0xFFFFF086  }
0x25: {  	[simem:s6], [sflag:s4] =	dma.local [hbm:s3], $0xF7A  }
0x26: {  	[smem:$0x3F9B] =	sst s1;
	(tag) =	ssettag s2;
	_ =	strace s9  }
0x27: {  	s1 =	sld [smem:$0x3FAB]  }
0x28: {  	s2 =	sld [smem:$0x3FAC]  }
0x29: {  	s4 =	sld [smem:$0x3FAE]  }
0x2a: {  	p0 =	seq.s32 s5, $0x0;
	s5 =	sld [smem:$0x3FAF]  }
0x2b: {  	s6 =	sld [smem:$0x3FB0]  }
0x2c: {  	s7 =	sld [smem:$0x3FB1]  }
0x2d: {  	s3 =	simm.s32 $0x108;
	s8 =	sld [smem:$0x3FB2]  }
0x2e: {  	s3 =	simm.s32 @!p0 $0x1082;
	s9 =	sld [smem:$0x3FB3]  }
0x2f: {  	lr =	sadd.s32 s0, s3;
	s0 =	sld [smem:$0x3FAA]  }
0x30: {  	s3 =	sld [smem:$0x3FAD]  }
0x31: {  	[smem:$0x3FB6] =	sst s10  }
0x32: {  	s10 =	sld [smem:$0x3FB4];
	_ =	sdelay $0x3  }
0x33: {  	p0 =	seq.s32 s10, $0x1;
	s10 =	sld [smem:$0x3FB6];
	_ =	sdelay $0x3  }
0x34: {  	[smem:$0x3FB6] =	sst s10  }
0x35: {  	s10 =	sld [smem:$0x3FB5];
	_ =	sdelay $0x3  }
0x36: {  	p1 =	seq.s32 s10, $0x1;
	s10 =	sld [smem:$0x3FB6];
	_ =	sdelay $0x3  }
0x37: {  	[smem:$0x3FB6] =	sst s10  }
0x38: {  	s10 =	sld [smem:$0x3FB7]  }
0x39: {  	_ = 	snop;
	(pc) =	sbr.ind lr, $3  }
0x3a: {  	_ = 	snop  }
0x3b: {  	_ = 	snop  }
0x3c: {  	p2 =	seq.s32 s10, $0x1;
	s10 =	sld [smem:$0x3FB6]  }
0x3d: {  	_ =	shalt  }
0x3e: {  	_ =	shalt  }
0x3f: {  	_ =	shalt  }
0x40: {  	_ =	shalt  }
0x41: {  	_ =	shalt  }
0x42: {  	_ =	shalt  }
0x43: {  	_ =	shalt  }
0x44: {  	_ =	shalt  }
0x45: {  	_ =	shalt  }
0x46: {  	_ =	shalt  }
0x47: {  	_ =	shalt  }
0x48: {  	_ =	shalt  }
0x49: {  	_ =	shalt  }
0x4a: {  	_ =	shalt  }
0x4b: {  	_ =	shalt  }
0x4c: {  	_ =	shalt  }
0x4d: {  	_ =	shalt  }
0x4e: {  	_ =	shalt  }
0x4f: {  	_ =	shalt  }
0x50: {  	_ =	shalt  }
0x51: {  	_ =	shalt  }
0x52: {  	_ =	shalt  }
0x53: {  	_ =	shalt  }
0x54: {  	_ =	shalt  }
0x55: {  	_ =	shalt  }
0x56: {  	_ =	shalt  }
0x57: {  	_ =	shalt  }
0x58: {  	_ =	shalt  }
0x59: {  	_ =	shalt  }
0x5a: {  	_ =	shalt  }
0x5b: {  	_ =	shalt  }
0x5c: {  	_ =	shalt  }
0x5d: {  	_ =	shalt  }
0x5e: {  	_ =	shalt  }
0x5f: {  	_ =	shalt  }
0x60: {  	_ =	shalt  }
0x61: {  	_ =	shalt  }
0x62: {  	_ =	shalt  }
0x63: {  	_ =	shalt  }
0x64: {  	_ =	shalt  }
0x65: {  	_ =	shalt  }
0x66: {  	_ =	shalt  }
0x67: {  	_ =	shalt  }
0x68: {  	_ =	shalt  }
0x69: {  	_ =	shalt  }
0x6a: {  	_ =	shalt  }
0x6b: {  	_ =	shalt  }
0x6c: {  	_ =	shalt  }
0x6d: {  	_ =	shalt  }
0x6e: {  	_ =	shalt  }
0x6f: {  	_ =	shalt  }
0x70: {  	_ =	shalt  }
0x71: {  	_ =	shalt  }
0x72: {  	_ =	shalt  }
0x73: {  	_ =	shalt  }
0x74: {  	_ =	shalt  }
0x75: {  	_ =	shalt  }
0x76: {  	_ =	shalt  }
0x77: {  	_ =	shalt  }
0x78: {  	_ =	shalt  }
0x79: {  	_ =	shalt  }
0x7a: {  	_ =	shalt  }
0x7b: {  	_ =	shalt  }
0x7c: {  	_ =	shalt  }
0x7d: {  	_ =	shalt  }
0x7e: {  	_ =	shalt  }
0x7f: {  	_ =	shalt  }
0x80: {  	_ =	shalt  }
0x81: {  	_ =	shalt  }
0x82: {  	_ =	shalt  }
0x83: {  	_ =	shalt  }
0x84: {  	_ =	shalt  }
0x85: {  	_ =	shalt  }
0x86: {  	_ =	shalt  }
0x87: {  	_ =	shalt  }
.Lfunc_end0:
.L_simem_size_0:
called_computation_lowered:
.L_overlay_start_0:
0x88: {  	s2 =	sld [smem:$0x3FD9]  }
0x89: {  	s3 =	sld [smem:$0x3FFE];
	_ =	sdelay $0x1  }
0x8a: {  	s1 =	srdreg.scid  }
0x8b: {  	s0 =	sand.u32 $0x1, s1  }
0x8c: {  	s17 =	sshll.u32 s0, $0xA;
	s2 =	sadd.s32 s3, s2  }
0x8d: {  	s2 =	sadd.s32 s2, s17  }
0x8e: {  	[smem:$0x3FC2] =	sst s2  }
0x8f: {  	_ = 	snop  }
0x90: {  	s2 =	sld [smem:$0x3FD0];
	(tm) =	ssettm $0x1  }
0x91: {  	s18 =	sld [smem:$0x3FFB];
	_ =	sdelay $0x3  }
0x92: {  	_ =	strace s18  }
0x93: {  	s3 =	sld [smem:$0x3FFC];
	_ =	sdelay $0x3  }
0x94: {  	_ =	strace s3  }
0x95: {  	s3 =	sld [smem:$0x3FFD];
	_ =	sdelay $0x3  }
0x96: {  	_ =	strace s3  }
0x97: {  	_ =	strace $0x8FFFFFFF  }
0x98: {  	s19 =	sld [smem:$0x3FDB];
	_ =	sdelay $0x1  }
0x99: {  	s4 =	simm.s32 $_scs_section_size  }
0x9a: {  	s5 =	simm.s32 $_size__tile_overlayer_lowered;
	s6 =	simm.s32 $_tile_overlayer_lowered  }
0x9b: {  	s22 =	simm.s32 $0x1BFF;
	s21 =	sshll.u32 s6, $0x1;
	s3 =	sadd.s32 s4, s19  }
0x9c: {  	s7 =	simm.s32 $0x0;
	s20 =	sshll.u32 s5, $0x1;
	s5 =	sadd.s32 s21, s3  }
0x9d: {  	[timem:s7], [sflag:s22] =	dma.local [hbm:s5], s20  }
0x9e: {  	_ =	swait.ge [sflag:s22], s20  }
0x9f: {  	s4 =	ssub.s32 $0x0, s20;
	[sflag:s22] =	ssyncset.done $0x0  }
0xa0: {  	[sflag:s22] =	ssyncadd.s32 s4;
	_ =	sdelay $0x1  }
0xa1: {  	s23 =	simm.s32 $0x1B8B  }
0xa2: {  	_ =	swait.ge [sflag:s23], $0x1  }
0xa3: {  	[sflag:s23] =	ssyncset.done $0x0  }
0xa4: {  	s25 =	simm.s32 $0x1B8E;
	s24 =	sld [smem:$0x3FFE];
	[sflag:s23] =	ssyncadd.s32 $0xFFFFFFFF  }
0xa5: {  	s26 =	simm.s32 $execute0_lowered;
	[smem:$0x3FD2] =	sst s25  }
0xa6: {  	s5 =	sshll.u32 s26, $0x1;
	_ =	strace $0x80000046;
	[dreg:$0x1] =	wrdreg $0xFFFFFFFF  }
0xa7: {  	s28 =	simm.s32 $_size_execute0_lowered;
	s3 =	sadd.s32 s3, s5;
	[dreg:$0x0] =	wrdreg $0x0  }
0xa8: {  	s5 =	sshll.u32 s28, $0x1;
	[dreg:$0x2] =	wrdreg s3  }
0xa9: {  	[dreg:$0x3] =	wrdreg s5  }
0xaa: {  	[dreg:$0x4] =	wrdreg $0xC0  }
0xab: {  	_ =	task [dreg:s7], $0x5FFFF  }
0xac: {  	[dreg:$0x1] =	wrdreg $0xFFFFFFFF  }
0xad: {  	[dreg:$0x0] =	wrdreg $0x60  }
0xae: {  	[dreg:$0x2] =	wrdreg s24  }
0xaf: {  	[dreg:$0x3] =	wrdreg s2  }
0xb0: {  	[dreg:$0x4] =	wrdreg $0x9  }
0xb1: {  	_ =	task.clear_ibuf [dreg:s7], $0x5FFFF;
	_ =	strace $0x90000046  }
0xb2: {  	s29 =	simm.s32 $0x9;
	_ =	strace $0x80000048  }
0xb3: {  	_ =	swait.ge [sflag:s29], $0x1  }
0xb4: {  	[sflag:s29] =	ssyncadd.s32 $0xFFFFFFFF  }
0xb5: {  	_ =	strace $0x90000048  }
0xb6: {  	_ =	sfence  }
0xb7: {  	s30 =	sld [smem:$0x0];
	_ =	sdelay $0x2  }
0xb8: {  	s31 =	sshll.u32 s1, $0xD;
	s1 =	sshrl.u32 s1, $0x2  }
0xb9: {  	s3 =	sand.u32 $0x4000, s31;
	s1 =	sadd.s32 s1, s30  }
0xba: {  	s0 =	sor.u32 s3, s0;
	s1 =	sshll.u32 s1, $0x11  }
0xbb: {  	s0 =	sor.u32 s1, s0  }
0xbc: {  	s0 =	sadd.s32 $0x8F2B, s0  }
0xbd: {  	[sflag:s0] =	ssyncadd.remote.s32 $0x1  }
0xbe: {  	_ =	sfence.sel $0xFFFF  }
0xbf: {  	[dreg:$0x0] =	wrdreg $0xFFFFFFFF;
	(pc) =	sbr.abs _section_cstart, $3  }
0xc0: {  	[dreg:$0x1] =	wrdreg $0xFFFFFFFF  }
0xc1: {  	_ =	task.clear_ibuf [dreg:s7], $0x2FFFF;
	_ =	strace $0x9FFFFFFF  }
0xc2: {  	(tm) =	ssettm $0x7FFFFFFF  }
0xc3: {  	_ =	shalt  }
tec
execute0_lowered:
.L_overlay_start_1:
0x0: {  	(tag) =	ssettag $0x1  }
0x1: {  	s0 =	srdreg.scid;
	s4 =	rddreg [dreg:$0x0]  }
0x2: {  	s5 =	rddreg [dreg:$0x1];
	s2 =	simm.s32 $0x0;
	s3 =	sand.u32 $0x1, s0  }
0x3: {  	s10 =	simm.s32 $0x2800;
	s0 =	stileid.u32;
	s1 =	sshll.u32 s3, $0x4  }
0x4: {  	s11 =	simm.s32 $0x5000;
	s12 =	simm.s32 $0x7800;
	s6 =	sor.u32 s0, s1  }
0x5: {  	s13 =	simm.s32 $0x0;
	[smem:$0x7FF] =	sst s2;
	s7 =	smul.u32 $0x500, s6  }
0x6: {  	s8 =	ssub.s32 $0x2, s3;
	s3 =	sadd.s32 $0x20400, s4;
	s6 =	smul.u32 $0x5000, s6  }
0x7: {  	s1 =	rddreg [dreg:$0x2];
	_ =	strace $0x80000047;
	s9 =	sshrl.u32 s8, $0x1  }
0x8: {  	s8 =	ssub.s32 s8, s9;
	s9 =	simm.s32 $0x1;
	s6 =	sshrl.u32 s6, $0x3  }
0x9: {  	s8 =	smax.u32 s8, $0x1;
	s7 =	sadd.s32 s7, s4;
	s4 =	sadd.s32 s5, s6  }
0xa: {  	v0 =	vimm.f32 $1.000000000e+00;
	s5 =	sadd.s32 $0x2400, s7;
	s6 =	sadd.s32 $0x16400, s7;
	s7 =	sadd.s32 $0x500, s4  }
.LBB2_1:
0xb: {  	[tilespmem:s2], [sflag:$0x1] =	stream.linear.gather [hbm4b:s5+s2], $0x2800, $0x38;
	[tilespmem:$0xA000] =	vst v63  }
0xc: {  	_ =	swait.ge [sflag:s9], $0x2800  }
0xd: {  	[sflag:s9] =	ssyncset.done $0x0  }
0xe: {  	[sflag:s9] =	ssyncadd.s32 $0xFFFFD800  }
0xf: {  	[tilespmem:s10], [sflag:$0x1] =	stream.linear.gather [hbm4b:s6+s2], $0x2800, $0x38;
	[tilespmem:$0xA000] =	vst v63  }
0x10: {  	_ =	swait.ge [sflag:s9], $0x2800  }
0x11: {  	[sflag:s9] =	ssyncset.done $0x0  }
0x12: {  	[sflag:s9] =	ssyncadd.s32 $0xFFFFD800  }
0x13: {  	[tilespmem:s11], [sflag:$0x1] =	stream.linear.gather [hbm4b:s3+s2], $0x2800, $0x38;
	[tilespmem:$0xA000] =	vst v63  }
0x14: {  	_ =	swait.ge [sflag:s9], $0x2800  }
0x15: {  	[sflag:s9] =	ssyncset.done $0x0  }
0x16: {  	[sflag:s9] =	ssyncadd.s32 $0xFFFFD800  }
0x17: {  	[tilespmem:s12], [sflag:$0x1] =	stream.linear.gather [hbm4b:s3+s2], $0x2800, $0x38;
	[tilespmem:$0xA000] =	vst v63  }
0x18: {  	_ =	swait.ge [sflag:s9], $0x2800  }
0x19: {  	[sflag:s9] =	ssyncset.done $0x0  }
0x1a: {  	s14 =	simm.s32 $0x0;
	[sflag:s9] =	ssyncadd.s32 $0xFFFFD800  }
.LBB2_2:
0x1b: {  	s15 =	sshra.s32 s14, $0x2  }
0x1c: {  	v1 =	vld [tilespmem:s15+$0x0];
	_ =	sdelay $0x7  }
0x1d: {  	[tilespmem:v1+s11+$0x0] =	vst.idx.add.f32.msk $0xffff, v0  }
0x1e: {  	v1 =	vld [tilespmem:s15+$0x2800];
	_ =	sdelay $0x7  }
0x1f: {  	[tilespmem:v1+s12+$0x0] =	vst.idx.add.f32.msk $0xffff, v0  }
0x20: {  	v1 =	vld [tilespmem:s15+$0x10];
	_ =	sdelay $0x7  }
0x21: {  	[tilespmem:v1+s11+$0x0] =	vst.idx.add.f32.msk $0xffff, v0  }
0x22: {  	v1 =	vld [tilespmem:s15+$0x2810];
	_ =	sdelay $0x7  }
0x23: {  	[tilespmem:v1+s12+$0x0] =	vst.idx.add.f32.msk $0xffff, v0  }
0x24: {  	v1 =	vld [tilespmem:s15+$0x20];
	_ =	sdelay $0x7  }
0x25: {  	[tilespmem:v1+s11+$0x0] =	vst.idx.add.f32.msk $0xffff, v0  }
0x26: {  	v1 =	vld [tilespmem:s15+$0x2820];
	_ =	sdelay $0x7  }
0x27: {  	[tilespmem:v1+s12+$0x0] =	vst.idx.add.f32.msk $0xffff, v0  }
0x28: {  	v1 =	vld [tilespmem:s15+$0x30];
	_ =	sdelay $0x7  }
0x29: {  	[tilespmem:v1+s11+$0x0] =	vst.idx.add.f32.msk $0xffff, v0  }
0x2a: {  	v1 =	vld [tilespmem:s15+$0x2830];
	_ =	sdelay $0x7  }
0x2b: {  	[tilespmem:v1+s12+$0x0] =	vst.idx.add.f32.msk $0xffff, v0  }
0x2c: {  	v1 =	vld [tilespmem:s15+$0x40];
	_ =	sdelay $0x7  }
0x2d: {  	[tilespmem:v1+s11+$0x0] =	vst.idx.add.f32.msk $0xffff, v0  }
0x2e: {  	v1 =	vld [tilespmem:s15+$0x2840];
	_ =	sdelay $0x7  }
0x2f: {  	[tilespmem:v1+s12+$0x0] =	vst.idx.add.f32.msk $0xffff, v0  }
0x30: {  	v1 =	vld [tilespmem:s15+$0x50];
	_ =	sdelay $0x7  }
0x31: {  	[tilespmem:v1+s11+$0x0] =	vst.idx.add.f32.msk $0xffff, v0  }
0x32: {  	v1 =	vld [tilespmem:s15+$0x2850];
	_ =	sdelay $0x7  }
0x33: {  	[tilespmem:v1+s12+$0x0] =	vst.idx.add.f32.msk $0xffff, v0  }
0x34: {  	v1 =	vld [tilespmem:s15+$0x60];
	_ =	sdelay $0x7  }
0x35: {  	[tilespmem:v1+s11+$0x0] =	vst.idx.add.f32.msk $0xffff, v0  }
0x36: {  	v1 =	vld [tilespmem:s15+$0x2860];
	_ =	sdelay $0x7  }
0x37: {  	[tilespmem:v1+s12+$0x0] =	vst.idx.add.f32.msk $0xffff, v0  }
0x38: {  	v1 =	vld [tilespmem:s15+$0x70];
	_ =	sdelay $0x7  }
0x39: {  	[tilespmem:v1+s11+$0x0] =	vst.idx.add.f32.msk $0xffff, v0  }
0x3a: {  	v1 =	vld [tilespmem:s15+$0x2870];
	_ =	sdelay $0x2  }
0x3b: {  	p0 =	sne.s32 s14, $0x9E00  }
.Ltmp0:
0x3c: {  	_ = 	snop;
	(pc) =	sbr.rel @p0 .LBB2_2-.Ltmp0, $2  }
0x3d: {  	_ =	sdelay $0x2  }
0x3e: {  	s14 =	sadd.s32 $0x200, s14;
	[tilespmem:v1+s12+$0x0] =	vst.idx.add.f32.msk $0xffff, v0  }
0x3f: {  	[hbm4b:s4+s2] =	stream.linear.scatter [tilespmem:s11], [sflag:$0x1], $0x2800, $0x38;
	[tilespmem:$0xA000] =	vst v63  }
0x40: {  	s13 =	sadd.s32 $0x1, s13;
	_ =	swait.ge [sflag:s9], $0x2800  }
0x41: {  	p0 =	sne.s32 s13, s8;
	[sflag:s9] =	ssyncset.done $0x0  }
.Ltmp1:
0x42: {  	[sflag:s9] =	ssyncadd.s32 $0xFFFFD800;
	(pc) =	sbr.rel @p0 .LBB2_1-.Ltmp1, $4  }
0x43: {  	[hbm4b:s7+s2] =	stream.linear.scatter [tilespmem:s12], [sflag:$0x1], $0x2800, $0x38;
	[tilespmem:$0xA000] =	vst v63  }
0x44: {  	_ =	swait.ge [sflag:s9], $0x2800  }
0x45: {  	[sflag:s9] =	ssyncset.done $0x0  }
0x46: {  	[sflag:s9] =	ssyncadd.s32 $0xFFFFD800  }
0x47: {  	_ =	sfence.sel $0x180000  }
0x48: {  	[bflag:$0x0] =	sbarrier.arrive $0xFFFF  }
0x49: {  	p0 =	sne.s32 s0, $0x0;
	_ =	strace $0x90000047  }
0x4a: {  	s0 =	sadd.s32 @!p0 $0x100000, s1;
	[bflag:$0x2] =	sbarrier.arrive $0xFFFF  }
0x4b: {  	[sflag:s0] =	ssyncadd.tile.s32 @!p0 $0x1;
	_ =	shalt  }
.Lfunc_end2:
_tile_overlayer_lowered:
.L_overlay_start_2:
0x4c: {  	(tag) =	ssettag $0x2  }
0x4d: {  	s0 =	rddreg [dreg:$0x0];
	s2 =	stileid.u32  }
0x4e: {  	s1 =	rddreg [dreg:$0x1];
	p0 =	sne.s32 s2, $0x0  }
0x4f: {  	s3 =	rddreg [dreg:$0x2];
	[bflag:$0x3] =	sbarrier.arrive $0xFFFF;
	s2 =	simm.s32 @!p0 $0x1C01  }
0x50: {  	[timem:s3], [sflag:s2] =	dma.local @!p0 [hbm:s0], s1  }
0x51: {  	s0 =	simm.s32 @!p0 $0x1  }
0x52: {  	_ =	swait.ge @!p0 [sflag:s0], s1  }
0x53: {  	s1 =	ssub.s32 @!p0 $0x0, s1;
	[sflag:s0] =	ssyncset.done @!p0 $0x0  }
0x54: {  	[sflag:s0] =	ssyncadd.s32 @!p0 s1  }
0x55: {  	[bflag:$0x3] =	sbarrier.arrive $0xFFFF  }
0x56: {  	_ =	shalt  }

</sc_bundles>
